<compile_context>
chip_gen: v7x
topology: tpu7x:2x2x1
jax: 0.10.2.dev20260603
libtpu: 0.0.44.dev20260713+nightly
codegen_flags: <defaults>
</compile_context>

<pallas_src>
import functools

import numpy as np

import jax
import jax.numpy as jnp
from jax import lax
from jax.experimental import pallas as pl
from jax.experimental.pallas import tpu as pltpu
from jax.experimental.pallas import tpu_sc as plsc

_N = 10000
_E = 160000
_D = 256
_HALF = 128

_NS = 16
_CHUNK = 128
_KPW = 80
_EPAD = _NS * _KPW * _CHUNK
_ACC_ROWS = 10112
_ZROWS = _ACC_ROWS // _NS
_OROWS = 632
_OLAST = _N - 15 * _OROWS
_GRP = 40

_ROWS = 1000

_PAD_SRC = (np.arange(_EPAD - _E) % _N).astype(np.int32)
_PAD_DST = (_N + np.arange(_EPAD - _E) % (_ACC_ROWS - _N)).astype(np.int32)
_ZEROS = np.zeros((_ACC_ROWS, _HALF), np.float32)



_mesh = plsc.VectorSubcoreMesh(core_axis_name="c", subcore_axis_name="s")


@functools.partial(
    pl.kernel,
    out_type=[
        jax.ShapeDtypeStruct((_N, _HALF), jnp.float32),
        jax.ShapeDtypeStruct((_N, _HALF), jnp.float32),
    ],
    mesh=_mesh,
    scratch_types=[
        pltpu.VMEM_SHARED((_ACC_ROWS, _HALF), jnp.float32),
        pltpu.VMEM((_GRP, _CHUNK), jnp.int32),
        pltpu.VMEM((_GRP, _CHUNK), jnp.int32),
        pltpu.VMEM((_CHUNK, _HALF), jnp.float32),
        pltpu.VMEM((_CHUNK, _HALF), jnp.float32),
        pltpu.SemaphoreType.DMA,
        pltpu.SemaphoreType.DMA,
    ],
)
def _segsum(x0, x1, src2d, dst2d, zeros_hbm, out0, out1,
            acc, src_v, dst_v, rows_a, rows_b, sem_a, sem_b):
    c = lax.axis_index("c")
    s = lax.axis_index("s")
    pltpu.sync_copy(zeros_hbm.at[pl.ds(s * _ZROWS, _ZROWS)],
                    acc.at[pl.ds(s * _ZROWS, _ZROWS)])
    plsc.subcore_barrier()

    def start_gather(g, buf, sem):
        @pl.when(c == 0)
        def _():
            pltpu.async_copy(x0.at[src_v.at[g]], buf, sem)

        @pl.when(c == 1)
        def _():
            pltpu.async_copy(x1.at[src_v.at[g]], buf, sem)

    def wait_gather(g, buf, sem):
        pltpu.make_async_copy(x0.at[src_v.at[g]], buf, sem).wait()

    def body(i, carry):
        g0 = 2 * i
        g1 = g0 + 1
        start_gather(g1, rows_b, sem_b)
        wait_gather(g0, rows_a, sem_a)
        pltpu.sync_copy(rows_a, acc.at[dst_v.at[g0]], add=True)

        @pl.when(g0 + 2 < _GRP)
        def _():
            start_gather(g0 + 2, rows_a, sem_a)

        wait_gather(g1, rows_b, sem_b)
        pltpu.sync_copy(rows_b, acc.at[dst_v.at[g1]], add=True)
        return carry

    for h in range(_KPW // _GRP):
        base = s * _KPW + h * _GRP
        pltpu.sync_copy(src2d.at[pl.ds(base, _GRP)], src_v)
        pltpu.sync_copy(dst2d.at[pl.ds(base, _GRP)], dst_v)
        start_gather(0, rows_a, sem_a)
        lax.fori_loop(0, _GRP // 2, body, 0)

    plsc.subcore_barrier()

    @pl.when((c == 0) & (s < 15))
    def _():
        pltpu.sync_copy(acc.at[pl.ds(s * _OROWS, _OROWS)],
                        out0.at[pl.ds(s * _OROWS, _OROWS)])

    @pl.when((c == 0) & (s == 15))
    def _():
        pltpu.sync_copy(acc.at[pl.ds(15 * _OROWS, _OLAST)],
                        out0.at[pl.ds(15 * _OROWS, _OLAST)])

    @pl.when((c == 1) & (s < 15))
    def _():
        pltpu.sync_copy(acc.at[pl.ds(s * _OROWS, _OROWS)],
                        out1.at[pl.ds(s * _OROWS, _OROWS)])

    @pl.when((c == 1) & (s == 15))
    def _():
        pltpu.sync_copy(acc.at[pl.ds(15 * _OROWS, _OLAST)],
                        out1.at[pl.ds(15 * _OROWS, _OLAST)])



def _mm_root_body(r0, r1, wroot, b, o):
    o[...] = (
        jnp.dot(r0[...], wroot[0:_HALF, :], preferred_element_type=jnp.float32)
        + jnp.dot(r1[...], wroot[_HALF:_D, :], preferred_element_type=jnp.float32)
        + b[...]
    )


def _mm_root(r0, r1, wroot, b):
    half_spec = pl.BlockSpec((_ROWS, _HALF), lambda i: (i, 0))
    w_spec = pl.BlockSpec((_D, _D), lambda i: (0, 0))
    return pl.pallas_call(
        _mm_root_body,
        grid=(_N // _ROWS,),
        in_specs=[half_spec, half_spec, w_spec,
                  pl.BlockSpec((1, _D), lambda i: (0, 0))],
        out_specs=pl.BlockSpec((_ROWS, _D), lambda i: (i, 0)),
        out_shape=jax.ShapeDtypeStruct((_N, _D), jnp.float32),
    )(r0, r1, wroot, b.reshape(1, _D))


def _mm_rel_body(do_relu, split_out, a0, a1, wrel, root, *outs):
    h = (
        jnp.dot(a0[...], wrel[0:_HALF, :], preferred_element_type=jnp.float32)
        + jnp.dot(a1[...], wrel[_HALF:_D, :], preferred_element_type=jnp.float32)
        + root[...]
    )
    if do_relu:
        h = jnp.maximum(h, 0.0)
    if split_out:
        outs[0][...] = h[:, 0:_HALF]
        outs[1][...] = h[:, _HALF:_D]
    else:
        outs[0][...] = h


def _mm_rel(a0, a1, wrel, root, do_relu, split_out):
    half_spec = pl.BlockSpec((_ROWS, _HALF), lambda i: (i, 0))
    full_spec = pl.BlockSpec((_ROWS, _D), lambda i: (i, 0))
    w_spec = pl.BlockSpec((_D, _D), lambda i: (0, 0))
    if split_out:
        out_specs = [half_spec, half_spec]
        out_shape = [jax.ShapeDtypeStruct((_N, _HALF), jnp.float32)] * 2
    else:
        out_specs = full_spec
        out_shape = jax.ShapeDtypeStruct((_N, _D), jnp.float32)
    return pl.pallas_call(
        functools.partial(_mm_rel_body, do_relu, split_out),
        grid=(_N // _ROWS,),
        in_specs=[half_spec, half_spec, w_spec, full_spec],
        out_specs=out_specs,
        out_shape=out_shape,
    )(a0, a1, wrel, root)



def kernel(x, edge_index, W1_rel, W1_root, b1, W2_rel, W2_root, b2):
    src = edge_index[0]
    dst = edge_index[1]
    src_p = jnp.concatenate([src, jnp.asarray(_PAD_SRC)])
    dst_p = jnp.concatenate([dst, jnp.asarray(_PAD_DST)])
    src2d = src_p.reshape(_EPAD // _CHUNK, _CHUNK)
    dst2d = dst_p.reshape(_EPAD // _CHUNK, _CHUNK)
    zeros = jnp.asarray(_ZEROS)

    x0 = x[:, :_HALF]
    x1 = x[:, _HALF:]
    a0, a1 = _segsum(x0, x1, src2d, dst2d, zeros)
    root1 = _mm_root(x0, x1, W1_root, b1)
    t0, t1 = _mm_rel(a0, a1, W1_rel, root1, do_relu=True, split_out=True)
    a0, a1 = _segsum(t0, t1, src2d, dst2d, zeros)
    root2 = _mm_root(t0, t1, W2_root, b2)
    out = _mm_rel(a0, a1, W2_rel, root2, do_relu=False, split_out=False)
    return out

# --- scband reference (transcript-rebuilt; emitter-appended) ---
"""Pipeline reference for scband-gcns-30116310679748 (READ-ONLY COPY).

The authoritative reference and input builder live on the scoring server;
editing this copy changes nothing except your own understanding.
"""

import jax, jax.numpy as jnp
import numpy as np

N = 10000
E = 160000
D_IN = 256
H = 256
D_OUT = 256


def setup_inputs(seed: int = 0) -> dict:
    key = jax.random.key(seed)
    ks = jax.random.split(key, 8)
    x = jax.random.normal(ks[0], (N, D_IN), dtype=jnp.float32)
    edge_index = jax.random.randint(ks[1], (2, E), 0, N, dtype=jnp.int32)
    s1 = 1.0 / np.sqrt(D_IN)
    s2 = 1.0 / np.sqrt(H)
    W1_rel = jax.random.normal(ks[2], (D_IN, H), dtype=jnp.float32) * s1
    W1_root = jax.random.normal(ks[3], (D_IN, H), dtype=jnp.float32) * s1
    b1 = jnp.zeros((H,), dtype=jnp.float32)
    W2_rel = jax.random.normal(ks[4], (H, D_OUT), dtype=jnp.float32) * s2
    W2_root = jax.random.normal(ks[5], (H, D_OUT), dtype=jnp.float32) * s2
    b2 = jnp.zeros((D_OUT,), dtype=jnp.float32)
    return {
        "x": x,
        "edge_index": edge_index,
        "W1_rel": W1_rel,
        "W1_root": W1_root,
        "b1": b1,
        "W2_rel": W2_rel,
        "W2_root": W2_root,
        "b2": b2,
    }


def reference(x, edge_index, W1_rel, W1_root, b1, W2_rel, W2_root, b2):
    # PyG GraphConv (aggr='add'): out = lin_rel(sum_{j in N(i)} x_j) + lin_root(x_i)
    src = edge_index[0]
    dst = edge_index[1]
    n = x.shape[0]
    # layer 1
    msgs = jnp.take(x, src, axis=0)
    agg = jax.ops.segment_sum(msgs, dst, num_segments=n)
    h = agg @ W1_rel + x @ W1_root + b1
    t = jax.nn.relu(h)
    # layer 2
    msgs2 = jnp.take(t, src, axis=0)
    agg2 = jax.ops.segment_sum(msgs2, dst, num_segments=n)
    out = agg2 @ W2_rel + t @ W2_root + b2
    return out

if __name__ == "__main__":
    import jax
    _d = setup_inputs()
    print(jax.jit(kernel)(*tuple(_d.values())))

</pallas_src>

<mosaic_0001>
#map = affine_map<(d0, d1) -> (0, 0)>
module attributes {stable_mosaic.version = 14 : i64} {
  func.func @_segsum(%arg0: i32, %arg1: i32, %arg2: memref<10000x128xf32, #tpu.memory_space<hbm>>, %arg3: memref<10000x128xf32, #tpu.memory_space<hbm>>, %arg4: memref<1280x128xi32, #tpu.memory_space<hbm>>, %arg5: memref<1280x128xi32, #tpu.memory_space<hbm>>, %arg6: memref<10112x128xf32, #tpu.memory_space<hbm>>, %arg7: memref<10000x128xf32, #tpu.memory_space<hbm>>, %arg8: memref<10000x128xf32, #tpu.memory_space<hbm>>, %arg9: memref<10112x128xf32, #tpu.memory_space<vmem_shared>>, %arg10: memref<40x128xi32, #tpu.memory_space<vmem>>, %arg11: memref<40x128xi32, #tpu.memory_space<vmem>>, %arg12: memref<128x128xf32, #tpu.memory_space<vmem>>, %arg13: memref<128x128xf32, #tpu.memory_space<vmem>>, %arg14: memref<!tpu.dma_semaphore, #tpu.memory_space<semaphore_mem>>, %arg15: memref<!tpu.dma_semaphore, #tpu.memory_space<semaphore_mem>>) attributes {dimension_semantics = [#tpu.dimension_semantics<core_parallel>, #tpu.dimension_semantics<subcore_parallel>], iteration_bounds = array<i64: 2, 16>, scalar_prefetch = 0 : i64, scratch_operands = 7 : i64, tpu.core_type = #tpu.core_type<sc_vector_subcore>, window_params = [{transform_indices = #map}, {transform_indices = #map}, {transform_indices = #map}, {transform_indices = #map}, {transform_indices = #map}, {transform_indices = #map}, {transform_indices = #map}]} {
    %mul3A = arith.constant 632 : i32
    %mul3A_0 = arith.muli %arg1, %mul3A : i32
    %mul3A_1 = arith.constant 632 : i32
    %mul3A_2 = arith.muli %arg1, %mul3A_1 : i32
    "tpu.region"() ({
      %run_scoped3A = tpu.sem_alloc : memref<!tpu.dma_semaphore, #tpu.memory_space<semaphore_mem>>
      %dma_start3A = arith.constant 0 : i32
      %dma_start3A_69 = tpu.memref_slice %arg9[%mul3A_2, %dma_start3A] : memref<10112x128xf32, #tpu.memory_space<vmem_shared>> -> memref<632x128xf32, #tpu.memory_space<vmem_shared>>
      %dma_start3A_70 = arith.constant 0 : i32
      %dma_start3A_71 = tpu.memref_slice %arg6[%mul3A_0, %dma_start3A_70] : memref<10112x128xf32, #tpu.memory_space<hbm>> -> memref<632x128xf32, #tpu.memory_space<hbm>>
      tpu.enqueue_dma source(%dma_start3A_71 : memref<632x128xf32, #tpu.memory_space<hbm>>) target(%dma_start3A_69 : memref<632x128xf32, #tpu.memory_space<vmem_shared>>) target_semaphore(%run_scoped3A : memref<!tpu.dma_semaphore, #tpu.memory_space<semaphore_mem>>)
      %dma_wait3A = arith.constant 0 : i32
      %dma_wait3A_72 = tpu.memref_slice %arg9[%mul3A_2, %dma_wait3A] : memref<10112x128xf32, #tpu.memory_space<vmem_shared>> -> memref<632x128xf32, #tpu.memory_space<vmem_shared>>
      %dma_wait3A_73 = arith.constant 0 : i32
      %dma_wait3A_74 = tpu.memref_slice %arg6[%mul3A_0, %dma_wait3A_73] : memref<10112x128xf32, #tpu.memory_space<hbm>> -> memref<632x128xf32, #tpu.memory_space<hbm>>
      tpu.wait_dma2 semaphore(%run_scoped3A : memref<!tpu.dma_semaphore, #tpu.memory_space<semaphore_mem>>) src(%dma_wait3A_74 : memref<632x128xf32, #tpu.memory_space<hbm>>) dst(%dma_wait3A_72 : memref<632x128xf32, #tpu.memory_space<vmem_shared>>)
      tpu.yield
    }) : () -> ()
    %barrier3A = arith.constant 0 : index
    tpu.barrier barrier_id(%barrier3A)
    %mul3A_3 = arith.constant 80 : i32
    %mul3A_4 = arith.muli %arg1, %mul3A_3 : i32
    %add3A = arith.constant 0 : i32
    %add3A_5 = arith.addi %mul3A_4, %add3A : i32
    "tpu.region"() ({
      %run_scoped3A = tpu.sem_alloc : memref<!tpu.dma_semaphore, #tpu.memory_space<semaphore_mem>>
      %dma_start3A = arith.constant 0 : i32
      %dma_start3A_69 = tpu.memref_slice %arg4[%add3A_5, %dma_start3A] : memref<1280x128xi32, #tpu.memory_space<hbm>> -> memref<40x128xi32, #tpu.memory_space<hbm>>
      %dma_start3A_70 = arith.constant 0 : i32
      %dma_start3A_71 = tpu.memref_slice %arg4[%add3A_5, %dma_start3A_70] : memref<1280x128xi32, #tpu.memory_space<hbm>> -> memref<40x128xi32, #tpu.memory_space<hbm>>
      tpu.enqueue_dma source(%dma_start3A_71 : memref<40x128xi32, #tpu.memory_space<hbm>>) target(%arg10 : memref<40x128xi32, #tpu.memory_space<vmem>>) target_semaphore(%run_scoped3A : memref<!tpu.dma_semaphore, #tpu.memory_space<semaphore_mem>>)
      %dma_wait3A = arith.constant 0 : i32
      %dma_wait3A_72 = tpu.memref_slice %arg4[%add3A_5, %dma_wait3A] : memref<1280x128xi32, #tpu.memory_space<hbm>> -> memref<40x128xi32, #tpu.memory_space<hbm>>
      %dma_wait3A_73 = arith.constant 0 : i32
      %dma_wait3A_74 = tpu.memref_slice %arg4[%add3A_5, %dma_wait3A_73] : memref<1280x128xi32, #tpu.memory_space<hbm>> -> memref<40x128xi32, #tpu.memory_space<hbm>>
      tpu.wait_dma2 semaphore(%run_scoped3A : memref<!tpu.dma_semaphore, #tpu.memory_space<semaphore_mem>>) src(%dma_wait3A_74 : memref<40x128xi32, #tpu.memory_space<hbm>>) dst(%arg10 : memref<40x128xi32, #tpu.memory_space<vmem>>)
      tpu.yield
    }) : () -> ()
    "tpu.region"() ({
      %run_scoped3A = tpu.sem_alloc : memref<!tpu.dma_semaphore, #tpu.memory_space<semaphore_mem>>
      %dma_start3A = arith.constant 0 : i32
      %dma_start3A_69 = tpu.memref_slice %arg5[%add3A_5, %dma_start3A] : memref<1280x128xi32, #tpu.memory_space<hbm>> -> memref<40x128xi32, #tpu.memory_space<hbm>>
      %dma_start3A_70 = arith.constant 0 : i32
      %dma_start3A_71 = tpu.memref_slice %arg5[%add3A_5, %dma_start3A_70] : memref<1280x128xi32, #tpu.memory_space<hbm>> -> memref<40x128xi32, #tpu.memory_space<hbm>>
      tpu.enqueue_dma source(%dma_start3A_71 : memref<40x128xi32, #tpu.memory_space<hbm>>) target(%arg11 : memref<40x128xi32, #tpu.memory_space<vmem>>) target_semaphore(%run_scoped3A : memref<!tpu.dma_semaphore, #tpu.memory_space<semaphore_mem>>)
      %dma_wait3A = arith.constant 0 : i32
      %dma_wait3A_72 = tpu.memref_slice %arg5[%add3A_5, %dma_wait3A] : memref<1280x128xi32, #tpu.memory_space<hbm>> -> memref<40x128xi32, #tpu.memory_space<hbm>>
      %dma_wait3A_73 = arith.constant 0 : i32
      %dma_wait3A_74 = tpu.memref_slice %arg5[%add3A_5, %dma_wait3A_73] : memref<1280x128xi32, #tpu.memory_space<hbm>> -> memref<40x128xi32, #tpu.memory_space<hbm>>
      tpu.wait_dma2 semaphore(%run_scoped3A : memref<!tpu.dma_semaphore, #tpu.memory_space<semaphore_mem>>) src(%dma_wait3A_74 : memref<40x128xi32, #tpu.memory_space<hbm>>) dst(%arg11 : memref<40x128xi32, #tpu.memory_space<vmem>>)
      tpu.yield
    }) : () -> ()
    %eq3A = arith.constant 0 : i32
    %eq3A_6 = arith.cmpi eq, %arg0, %eq3A : i32
    %convert_element_type3A = arith.extui %eq3A_6 : i1 to i32
    %cond3A = arith.constant 0 : i32
    %cond3A_7 = arith.cmpi ne, %convert_element_type3A, %cond3A : i32
    scf.if %cond3A_7 {
      %dma_start3A = arith.constant 0 : i32
      %dma_start3A_69 = arith.constant 0 : i32
      %dma_start3A_70 = tpu.memref_slice %arg10[%dma_start3A, %dma_start3A_69] : memref<40x128xi32, #tpu.memory_space<vmem>> -> memref<1x128xi32, #tpu.memory_space<vmem>>
      %dma_start3A_71 = tpu.memref_squeeze %dma_start3A_70 : memref<1x128xi32, #tpu.memory_space<vmem>> -> memref<128xi32, #tpu.memory_space<vmem>>
      %dma_start3A_72 = arith.constant 0 : i32
      %dma_start3A_73 = arith.constant 0 : i32
      %dma_start3A_74 = tpu.memref_slice %arg2[%dma_start3A_72, %dma_start3A_73] : memref<10000x128xf32, #tpu.memory_space<hbm>> -> memref<10000x128xf32, #tpu.memory_space<hbm>>
      tpu.enqueue_indirect_dma source(%dma_start3A_74 : memref<10000x128xf32, #tpu.memory_space<hbm>>) target(%arg12 : memref<128x128xf32, #tpu.memory_space<vmem>>) offsets(%dma_start3A_71 : memref<128xi32, #tpu.memory_space<vmem>>) semaphore(%arg14 : memref<!tpu.dma_semaphore, #tpu.memory_space<semaphore_mem>>)
    } else {
    }
    %eq3A_8 = arith.constant 1 : i32
    %eq3A_9 = arith.cmpi eq, %arg0, %eq3A_8 : i32
    %convert_element_type3A_10 = arith.extui %eq3A_9 : i1 to i32
    %cond3A_11 = arith.constant 0 : i32
    %cond3A_12 = arith.cmpi ne, %convert_element_type3A_10, %cond3A_11 : i32
    scf.if %cond3A_12 {
      %dma_start3A = arith.constant 0 : i32
      %dma_start3A_69 = arith.constant 0 : i32
      %dma_start3A_70 = tpu.memref_slice %arg10[%dma_start3A, %dma_start3A_69] : memref<40x128xi32, #tpu.memory_space<vmem>> -> memref<1x128xi32, #tpu.memory_space<vmem>>
      %dma_start3A_71 = tpu.memref_squeeze %dma_start3A_70 : memref<1x128xi32, #tpu.memory_space<vmem>> -> memref<128xi32, #tpu.memory_space<vmem>>
      %dma_start3A_72 = arith.constant 0 : i32
      %dma_start3A_73 = arith.constant 0 : i32
      %dma_start3A_74 = tpu.memref_slice %arg3[%dma_start3A_72, %dma_start3A_73] : memref<10000x128xf32, #tpu.memory_space<hbm>> -> memref<10000x128xf32, #tpu.memory_space<hbm>>
      tpu.enqueue_indirect_dma source(%dma_start3A_74 : memref<10000x128xf32, #tpu.memory_space<hbm>>) target(%arg12 : memref<128x128xf32, #tpu.memory_space<vmem>>) offsets(%dma_start3A_71 : memref<128xi32, #tpu.memory_space<vmem>>) semaphore(%arg14 : memref<!tpu.dma_semaphore, #tpu.memory_space<semaphore_mem>>)
    } else {
    }
    %scan3A = arith.constant 0 : i32
    %scan3A_13 = arith.constant 0 : i32
    %scan3A_14 = arith.constant 20 : i32
    %scan3A_15 = arith.addi %scan3A_13, %scan3A_14 : i32
    %scan3A_16 = arith.constant 1 : i32
    scf.for %scan3A_69 = %scan3A_13 to %scan3A_15 step %scan3A_16  : i32 {
      %mul3A_70 = arith.constant 2 : i32
      %mul3A_71 = arith.muli %mul3A_70, %scan3A_69 : i32
      %add3A_72 = arith.constant 1 : i32
      %add3A_73 = arith.addi %mul3A_71, %add3A_72 : i32
      %eq3A_74 = arith.constant 0 : i32
      %eq3A_75 = arith.cmpi eq, %arg0, %eq3A_74 : i32
      %convert_element_type3A_76 = arith.extui %eq3A_75 : i1 to i32
      %cond3A_77 = arith.constant 0 : i32
      %cond3A_78 = arith.cmpi ne, %convert_element_type3A_76, %cond3A_77 : i32
      scf.if %cond3A_78 {
        %dma_start3A = arith.constant 0 : i32
        %dma_start3A_102 = tpu.memref_slice %arg10[%add3A_73, %dma_start3A] : memref<40x128xi32, #tpu.memory_space<vmem>> -> memref<1x128xi32, #tpu.memory_space<vmem>>
        %dma_start3A_103 = tpu.memref_squeeze %dma_start3A_102 : memref<1x128xi32, #tpu.memory_space<vmem>> -> memref<128xi32, #tpu.memory_space<vmem>>
        %dma_start3A_104 = arith.constant 0 : i32
        %dma_start3A_105 = arith.constant 0 : i32
        %dma_start3A_106 = tpu.memref_slice %arg2[%dma_start3A_104, %dma_start3A_105] : memref<10000x128xf32, #tpu.memory_space<hbm>> -> memref<10000x128xf32, #tpu.memory_space<hbm>>
        tpu.enqueue_indirect_dma source(%dma_start3A_106 : memref<10000x128xf32, #tpu.memory_space<hbm>>) target(%arg13 : memref<128x128xf32, #tpu.memory_space<vmem>>) offsets(%dma_start3A_103 : memref<128xi32, #tpu.memory_space<vmem>>) semaphore(%arg15 : memref<!tpu.dma_semaphore, #tpu.memory_space<semaphore_mem>>)
      } else {
      }
      %eq3A_79 = arith.constant 1 : i32
      %eq3A_80 = arith.cmpi eq, %arg0, %eq3A_79 : i32
      %convert_element_type3A_81 = arith.extui %eq3A_80 : i1 to i32
      %cond3A_82 = arith.constant 0 : i32
      %cond3A_83 = arith.cmpi ne, %convert_element_type3A_81, %cond3A_82 : i32
      scf.if %cond3A_83 {
        %dma_start3A = arith.constant 0 : i32
        %dma_start3A_102 = tpu.memref_slice %arg10[%add3A_73, %dma_start3A] : memref<40x128xi32, #tpu.memory_space<vmem>> -> memref<1x128xi32, #tpu.memory_space<vmem>>
        %dma_start3A_103 = tpu.memref_squeeze %dma_start3A_102 : memref<1x128xi32, #tpu.memory_space<vmem>> -> memref<128xi32, #tpu.memory_space<vmem>>
        %dma_start3A_104 = arith.constant 0 : i32
        %dma_start3A_105 = arith.constant 0 : i32
        %dma_start3A_106 = tpu.memref_slice %arg3[%dma_start3A_104, %dma_start3A_105] : memref<10000x128xf32, #tpu.memory_space<hbm>> -> memref<10000x128xf32, #tpu.memory_space<hbm>>
        tpu.enqueue_indirect_dma source(%dma_start3A_106 : memref<10000x128xf32, #tpu.memory_space<hbm>>) target(%arg13 : memref<128x128xf32, #tpu.memory_space<vmem>>) offsets(%dma_start3A_103 : memref<128xi32, #tpu.memory_space<vmem>>) semaphore(%arg15 : memref<!tpu.dma_semaphore, #tpu.memory_space<semaphore_mem>>)
      } else {
      }
      %dma_wait3A = arith.constant 0 : i32
      %dma_wait3A_84 = tpu.memref_slice %arg10[%mul3A_71, %dma_wait3A] : memref<40x128xi32, #tpu.memory_space<vmem>> -> memref<1x128xi32, #tpu.memory_space<vmem>>
      %dma_wait3A_85 = tpu.memref_squeeze %dma_wait3A_84 : memref<1x128xi32, #tpu.memory_space<vmem>> -> memref<128xi32, #tpu.memory_space<vmem>>
      %dma_wait3A_86 = arith.constant 0 : i32
      %dma_wait3A_87 = arith.constant 0 : i32
      %dma_wait3A_88 = tpu.memref_slice %arg2[%dma_wait3A_86, %dma_wait3A_87] : memref<10000x128xf32, #tpu.memory_space<hbm>> -> memref<10000x128xf32, #tpu.memory_space<hbm>>
      tpu.wait_indirect_dma semaphore(%arg14 : memref<!tpu.dma_semaphore, #tpu.memory_space<semaphore_mem>>) src(%dma_wait3A_88 : memref<10000x128xf32, #tpu.memory_space<hbm>>) dst(%arg12 : memref<128x128xf32, #tpu.memory_space<vmem>>)
      "tpu.region"() ({
        %run_scoped3A = tpu.sem_alloc : memref<!tpu.dma_semaphore, #tpu.memory_space<semaphore_mem>>
        %dma_start3A = arith.constant 0 : i32
        %dma_start3A_102 = tpu.memref_slice %arg11[%mul3A_71, %dma_start3A] : memref<40x128xi32, #tpu.memory_space<vmem>> -> memref<1x128xi32, #tpu.memory_space<vmem>>
        %dma_start3A_103 = tpu.memref_squeeze %dma_start3A_102 : memref<1x128xi32, #tpu.memory_space<vmem>> -> memref<128xi32, #tpu.memory_space<vmem>>
        %dma_start3A_104 = arith.constant 0 : i32
        %dma_start3A_105 = arith.constant 0 : i32
        %dma_start3A_106 = tpu.memref_slice %arg9[%dma_start3A_104, %dma_start3A_105] : memref<10112x128xf32, #tpu.memory_space<vmem_shared>> -> memref<10112x128xf32, #tpu.memory_space<vmem_shared>>
        tpu.enqueue_indirect_dma source(%arg12 : memref<128x128xf32, #tpu.memory_space<vmem>>) target(%dma_start3A_106 : memref<10112x128xf32, #tpu.memory_space<vmem_shared>>) offsets(%dma_start3A_103 : memref<128xi32, #tpu.memory_space<vmem>>) semaphore(%run_scoped3A : memref<!tpu.dma_semaphore, #tpu.memory_space<semaphore_mem>>) {add = true}
        %dma_wait3A_107 = arith.constant 0 : i32
        %dma_wait3A_108 = tpu.memref_slice %arg11[%mul3A_71, %dma_wait3A_107] : memref<40x128xi32, #tpu.memory_space<vmem>> -> memref<1x128xi32, #tpu.memory_space<vmem>>
        %dma_wait3A_109 = tpu.memref_squeeze %dma_wait3A_108 : memref<1x128xi32, #tpu.memory_space<vmem>> -> memref<128xi32, #tpu.memory_space<vmem>>
        %dma_wait3A_110 = arith.constant 0 : i32
        %dma_wait3A_111 = arith.constant 0 : i32
        %dma_wait3A_112 = tpu.memref_slice %arg9[%dma_wait3A_110, %dma_wait3A_111] : memref<10112x128xf32, #tpu.memory_space<vmem_shared>> -> memref<10112x128xf32, #tpu.memory_space<vmem_shared>>
        tpu.wait_indirect_dma semaphore(%run_scoped3A : memref<!tpu.dma_semaphore, #tpu.memory_space<semaphore_mem>>) src(%arg12 : memref<128x128xf32, #tpu.memory_space<vmem>>) dst(%dma_wait3A_112 : memref<10112x128xf32, #tpu.memory_space<vmem_shared>>)
        tpu.yield
      }) : () -> ()
      %add3A_89 = arith.constant 2 : i32
      %add3A_90 = arith.addi %mul3A_71, %add3A_89 : i32
      %lt3A_91 = arith.constant 40 : i32
      %lt3A_92 = arith.cmpi slt, %add3A_90, %lt3A_91 : i32
      %convert_element_type3A_93 = arith.extui %lt3A_92 : i1 to i32
      %cond3A_94 = arith.constant 0 : i32
      %cond3A_95 = arith.cmpi ne, %convert_element_type3A_93, %cond3A_94 : i32
      scf.if %cond3A_95 {
        %add3A_102 = arith.constant 2 : i32
        %add3A_103 = arith.addi %mul3A_71, %add3A_102 : i32
        %eq3A_104 = arith.constant 0 : i32
        %eq3A_105 = arith.cmpi eq, %arg0, %eq3A_104 : i32
        %convert_element_type3A_106 = arith.extui %eq3A_105 : i1 to i32
        %cond3A_107 = arith.constant 0 : i32
        %cond3A_108 = arith.cmpi ne, %convert_element_type3A_106, %cond3A_107 : i32
        scf.if %cond3A_108 {
          %dma_start3A = arith.constant 0 : i32
          %dma_start3A_114 = tpu.memref_slice %arg10[%add3A_103, %dma_start3A] : memref<40x128xi32, #tpu.memory_space<vmem>> -> memref<1x128xi32, #tpu.memory_space<vmem>>
          %dma_start3A_115 = tpu.memref_squeeze %dma_start3A_114 : memref<1x128xi32, #tpu.memory_space<vmem>> -> memref<128xi32, #tpu.memory_space<vmem>>
          %dma_start3A_116 = arith.constant 0 : i32
          %dma_start3A_117 = arith.constant 0 : i32
          %dma_start3A_118 = tpu.memref_slice %arg2[%dma_start3A_116, %dma_start3A_117] : memref<10000x128xf32, #tpu.memory_space<hbm>> -> memref<10000x128xf32, #tpu.memory_space<hbm>>
          tpu.enqueue_indirect_dma source(%dma_start3A_118 : memref<10000x128xf32, #tpu.memory_space<hbm>>) target(%arg12 : memref<128x128xf32, #tpu.memory_space<vmem>>) offsets(%dma_start3A_115 : memref<128xi32, #tpu.memory_space<vmem>>) semaphore(%arg14 : memref<!tpu.dma_semaphore, #tpu.memory_space<semaphore_mem>>)
        } else {
        }
        %eq3A_109 = arith.constant 1 : i32
        %eq3A_110 = arith.cmpi eq, %arg0, %eq3A_109 : i32
        %convert_element_type3A_111 = arith.extui %eq3A_110 : i1 to i32
        %cond3A_112 = arith.constant 0 : i32
        %cond3A_113 = arith.cmpi ne, %convert_element_type3A_111, %cond3A_112 : i32
        scf.if %cond3A_113 {
          %dma_start3A = arith.constant 0 : i32
          %dma_start3A_114 = tpu.memref_slice %arg10[%add3A_103, %dma_start3A] : memref<40x128xi32, #tpu.memory_space<vmem>> -> memref<1x128xi32, #tpu.memory_space<vmem>>
          %dma_start3A_115 = tpu.memref_squeeze %dma_start3A_114 : memref<1x128xi32, #tpu.memory_space<vmem>> -> memref<128xi32, #tpu.memory_space<vmem>>
          %dma_start3A_116 = arith.constant 0 : i32
          %dma_start3A_117 = arith.constant 0 : i32
          %dma_start3A_118 = tpu.memref_slice %arg3[%dma_start3A_116, %dma_start3A_117] : memref<10000x128xf32, #tpu.memory_space<hbm>> -> memref<10000x128xf32, #tpu.memory_space<hbm>>
          tpu.enqueue_indirect_dma source(%dma_start3A_118 : memref<10000x128xf32, #tpu.memory_space<hbm>>) target(%arg12 : memref<128x128xf32, #tpu.memory_space<vmem>>) offsets(%dma_start3A_115 : memref<128xi32, #tpu.memory_space<vmem>>) semaphore(%arg14 : memref<!tpu.dma_semaphore, #tpu.memory_space<semaphore_mem>>)
        } else {
        }
      } else {
      }
      %dma_wait3A_96 = arith.constant 0 : i32
      %dma_wait3A_97 = tpu.memref_slice %arg10[%add3A_73, %dma_wait3A_96] : memref<40x128xi32, #tpu.memory_space<vmem>> -> memref<1x128xi32, #tpu.memory_space<vmem>>
      %dma_wait3A_98 = tpu.memref_squeeze %dma_wait3A_97 : memref<1x128xi32, #tpu.memory_space<vmem>> -> memref<128xi32, #tpu.memory_space<vmem>>
      %dma_wait3A_99 = arith.constant 0 : i32
      %dma_wait3A_100 = arith.constant 0 : i32
      %dma_wait3A_101 = tpu.memref_slice %arg2[%dma_wait3A_99, %dma_wait3A_100] : memref<10000x128xf32, #tpu.memory_space<hbm>> -> memref<10000x128xf32, #tpu.memory_space<hbm>>
      tpu.wait_indirect_dma semaphore(%arg15 : memref<!tpu.dma_semaphore, #tpu.memory_space<semaphore_mem>>) src(%dma_wait3A_101 : memref<10000x128xf32, #tpu.memory_space<hbm>>) dst(%arg13 : memref<128x128xf32, #tpu.memory_space<vmem>>)
      "tpu.region"() ({
        %run_scoped3A = tpu.sem_alloc : memref<!tpu.dma_semaphore, #tpu.memory_space<semaphore_mem>>
        %dma_start3A = arith.constant 0 : i32
        %dma_start3A_102 = tpu.memref_slice %arg11[%add3A_73, %dma_start3A] : memref<40x128xi32, #tpu.memory_space<vmem>> -> memref<1x128xi32, #tpu.memory_space<vmem>>
        %dma_start3A_103 = tpu.memref_squeeze %dma_start3A_102 : memref<1x128xi32, #tpu.memory_space<vmem>> -> memref<128xi32, #tpu.memory_space<vmem>>
        %dma_start3A_104 = arith.constant 0 : i32
        %dma_start3A_105 = arith.constant 0 : i32
        %dma_start3A_106 = tpu.memref_slice %arg9[%dma_start3A_104, %dma_start3A_105] : memref<10112x128xf32, #tpu.memory_space<vmem_shared>> -> memref<10112x128xf32, #tpu.memory_space<vmem_shared>>
        tpu.enqueue_indirect_dma source(%arg13 : memref<128x128xf32, #tpu.memory_space<vmem>>) target(%dma_start3A_106 : memref<10112x128xf32, #tpu.memory_space<vmem_shared>>) offsets(%dma_start3A_103 : memref<128xi32, #tpu.memory_space<vmem>>) semaphore(%run_scoped3A : memref<!tpu.dma_semaphore, #tpu.memory_space<semaphore_mem>>) {add = true}
        %dma_wait3A_107 = arith.constant 0 : i32
        %dma_wait3A_108 = tpu.memref_slice %arg11[%add3A_73, %dma_wait3A_107] : memref<40x128xi32, #tpu.memory_space<vmem>> -> memref<1x128xi32, #tpu.memory_space<vmem>>
        %dma_wait3A_109 = tpu.memref_squeeze %dma_wait3A_108 : memref<1x128xi32, #tpu.memory_space<vmem>> -> memref<128xi32, #tpu.memory_space<vmem>>
        %dma_wait3A_110 = arith.constant 0 : i32
        %dma_wait3A_111 = arith.constant 0 : i32
        %dma_wait3A_112 = tpu.memref_slice %arg9[%dma_wait3A_110, %dma_wait3A_111] : memref<10112x128xf32, #tpu.memory_space<vmem_shared>> -> memref<10112x128xf32, #tpu.memory_space<vmem_shared>>
        tpu.wait_indirect_dma semaphore(%run_scoped3A : memref<!tpu.dma_semaphore, #tpu.memory_space<semaphore_mem>>) src(%arg13 : memref<128x128xf32, #tpu.memory_space<vmem>>) dst(%dma_wait3A_112 : memref<10112x128xf32, #tpu.memory_space<vmem_shared>>)
        tpu.yield
      }) : () -> ()
    }
    %scan3A_17 = arith.constant 20 : i32
    %mul3A_18 = arith.constant 80 : i32
    %mul3A_19 = arith.muli %arg1, %mul3A_18 : i32
    %add3A_20 = arith.constant 40 : i32
    %add3A_21 = arith.addi %mul3A_19, %add3A_20 : i32
    "tpu.region"() ({
      %run_scoped3A = tpu.sem_alloc : memref<!tpu.dma_semaphore, #tpu.memory_space<semaphore_mem>>
      %dma_start3A = arith.constant 0 : i32
      %dma_start3A_69 = tpu.memref_slice %arg4[%add3A_21, %dma_start3A] : memref<1280x128xi32, #tpu.memory_space<hbm>> -> memref<40x128xi32, #tpu.memory_space<hbm>>
      %dma_start3A_70 = arith.constant 0 : i32
      %dma_start3A_71 = tpu.memref_slice %arg4[%add3A_21, %dma_start3A_70] : memref<1280x128xi32, #tpu.memory_space<hbm>> -> memref<40x128xi32, #tpu.memory_space<hbm>>
      tpu.enqueue_dma source(%dma_start3A_71 : memref<40x128xi32, #tpu.memory_space<hbm>>) target(%arg10 : memref<40x128xi32, #tpu.memory_space<vmem>>) target_semaphore(%run_scoped3A : memref<!tpu.dma_semaphore, #tpu.memory_space<semaphore_mem>>)
      %dma_wait3A = arith.constant 0 : i32
      %dma_wait3A_72 = tpu.memref_slice %arg4[%add3A_21, %dma_wait3A] : memref<1280x128xi32, #tpu.memory_space<hbm>> -> memref<40x128xi32, #tpu.memory_space<hbm>>
      %dma_wait3A_73 = arith.constant 0 : i32
      %dma_wait3A_74 = tpu.memref_slice %arg4[%add3A_21, %dma_wait3A_73] : memref<1280x128xi32, #tpu.memory_space<hbm>> -> memref<40x128xi32, #tpu.memory_space<hbm>>
      tpu.wait_dma2 semaphore(%run_scoped3A : memref<!tpu.dma_semaphore, #tpu.memory_space<semaphore_mem>>) src(%dma_wait3A_74 : memref<40x128xi32, #tpu.memory_space<hbm>>) dst(%arg10 : memref<40x128xi32, #tpu.memory_space<vmem>>)
      tpu.yield
    }) : () -> ()
    "tpu.region"() ({
      %run_scoped3A = tpu.sem_alloc : memref<!tpu.dma_semaphore, #tpu.memory_space<semaphore_mem>>
      %dma_start3A = arith.constant 0 : i32
      %dma_start3A_69 = tpu.memref_slice %arg5[%add3A_21, %dma_start3A] : memref<1280x128xi32, #tpu.memory_space<hbm>> -> memref<40x128xi32, #tpu.memory_space<hbm>>
      %dma_start3A_70 = arith.constant 0 : i32
      %dma_start3A_71 = tpu.memref_slice %arg5[%add3A_21, %dma_start3A_70] : memref<1280x128xi32, #tpu.memory_space<hbm>> -> memref<40x128xi32, #tpu.memory_space<hbm>>
      tpu.enqueue_dma source(%dma_start3A_71 : memref<40x128xi32, #tpu.memory_space<hbm>>) target(%arg11 : memref<40x128xi32, #tpu.memory_space<vmem>>) target_semaphore(%run_scoped3A : memref<!tpu.dma_semaphore, #tpu.memory_space<semaphore_mem>>)
      %dma_wait3A = arith.constant 0 : i32
      %dma_wait3A_72 = tpu.memref_slice %arg5[%add3A_21, %dma_wait3A] : memref<1280x128xi32, #tpu.memory_space<hbm>> -> memref<40x128xi32, #tpu.memory_space<hbm>>
      %dma_wait3A_73 = arith.constant 0 : i32
      %dma_wait3A_74 = tpu.memref_slice %arg5[%add3A_21, %dma_wait3A_73] : memref<1280x128xi32, #tpu.memory_space<hbm>> -> memref<40x128xi32, #tpu.memory_space<hbm>>
      tpu.wait_dma2 semaphore(%run_scoped3A : memref<!tpu.dma_semaphore, #tpu.memory_space<semaphore_mem>>) src(%dma_wait3A_74 : memref<40x128xi32, #tpu.memory_space<hbm>>) dst(%arg11 : memref<40x128xi32, #tpu.memory_space<vmem>>)
      tpu.yield
    }) : () -> ()
    %eq3A_22 = arith.constant 0 : i32
    %eq3A_23 = arith.cmpi eq, %arg0, %eq3A_22 : i32
    %convert_element_type3A_24 = arith.extui %eq3A_23 : i1 to i32
    %cond3A_25 = arith.constant 0 : i32
    %cond3A_26 = arith.cmpi ne, %convert_element_type3A_24, %cond3A_25 : i32
    scf.if %cond3A_26 {
      %dma_start3A = arith.constant 0 : i32
      %dma_start3A_69 = arith.constant 0 : i32
      %dma_start3A_70 = tpu.memref_slice %arg10[%dma_start3A, %dma_start3A_69] : memref<40x128xi32, #tpu.memory_space<vmem>> -> memref<1x128xi32, #tpu.memory_space<vmem>>
      %dma_start3A_71 = tpu.memref_squeeze %dma_start3A_70 : memref<1x128xi32, #tpu.memory_space<vmem>> -> memref<128xi32, #tpu.memory_space<vmem>>
      %dma_start3A_72 = arith.constant 0 : i32
      %dma_start3A_73 = arith.constant 0 : i32
      %dma_start3A_74 = tpu.memref_slice %arg2[%dma_start3A_72, %dma_start3A_73] : memref<10000x128xf32, #tpu.memory_space<hbm>> -> memref<10000x128xf32, #tpu.memory_space<hbm>>
      tpu.enqueue_indirect_dma source(%dma_start3A_74 : memref<10000x128xf32, #tpu.memory_space<hbm>>) target(%arg12 : memref<128x128xf32, #tpu.memory_space<vmem>>) offsets(%dma_start3A_71 : memref<128xi32, #tpu.memory_space<vmem>>) semaphore(%arg14 : memref<!tpu.dma_semaphore, #tpu.memory_space<semaphore_mem>>)
    } else {
    }
    %eq3A_27 = arith.constant 1 : i32
    %eq3A_28 = arith.cmpi eq, %arg0, %eq3A_27 : i32
    %convert_element_type3A_29 = arith.extui %eq3A_28 : i1 to i32
    %cond3A_30 = arith.constant 0 : i32
    %cond3A_31 = arith.cmpi ne, %convert_element_type3A_29, %cond3A_30 : i32
    scf.if %cond3A_31 {
      %dma_start3A = arith.constant 0 : i32
      %dma_start3A_69 = arith.constant 0 : i32
      %dma_start3A_70 = tpu.memref_slice %arg10[%dma_start3A, %dma_start3A_69] : memref<40x128xi32, #tpu.memory_space<vmem>> -> memref<1x128xi32, #tpu.memory_space<vmem>>
      %dma_start3A_71 = tpu.memref_squeeze %dma_start3A_70 : memref<1x128xi32, #tpu.memory_space<vmem>> -> memref<128xi32, #tpu.memory_space<vmem>>
      %dma_start3A_72 = arith.constant 0 : i32
      %dma_start3A_73 = arith.constant 0 : i32
      %dma_start3A_74 = tpu.memref_slice %arg3[%dma_start3A_72, %dma_start3A_73] : memref<10000x128xf32, #tpu.memory_space<hbm>> -> memref<10000x128xf32, #tpu.memory_space<hbm>>
      tpu.enqueue_indirect_dma source(%dma_start3A_74 : memref<10000x128xf32, #tpu.memory_space<hbm>>) target(%arg12 : memref<128x128xf32, #tpu.memory_space<vmem>>) offsets(%dma_start3A_71 : memref<128xi32, #tpu.memory_space<vmem>>) semaphore(%arg14 : memref<!tpu.dma_semaphore, #tpu.memory_space<semaphore_mem>>)
    } else {
    }
    %scan3A_32 = arith.constant 0 : i32
    %scan3A_33 = arith.constant 0 : i32
    %scan3A_34 = arith.constant 20 : i32
    %scan3A_35 = arith.addi %scan3A_33, %scan3A_34 : i32
    %scan3A_36 = arith.constant 1 : i32
    scf.for %scan3A_69 = %scan3A_33 to %scan3A_35 step %scan3A_36  : i32 {
      %mul3A_70 = arith.constant 2 : i32
      %mul3A_71 = arith.muli %mul3A_70, %scan3A_69 : i32
      %add3A_72 = arith.constant 1 : i32
      %add3A_73 = arith.addi %mul3A_71, %add3A_72 : i32
      %eq3A_74 = arith.constant 0 : i32
      %eq3A_75 = arith.cmpi eq, %arg0, %eq3A_74 : i32
      %convert_element_type3A_76 = arith.extui %eq3A_75 : i1 to i32
      %cond3A_77 = arith.constant 0 : i32
      %cond3A_78 = arith.cmpi ne, %convert_element_type3A_76, %cond3A_77 : i32
      scf.if %cond3A_78 {
        %dma_start3A = arith.constant 0 : i32
        %dma_start3A_102 = tpu.memref_slice %arg10[%add3A_73, %dma_start3A] : memref<40x128xi32, #tpu.memory_space<vmem>> -> memref<1x128xi32, #tpu.memory_space<vmem>>
        %dma_start3A_103 = tpu.memref_squeeze %dma_start3A_102 : memref<1x128xi32, #tpu.memory_space<vmem>> -> memref<128xi32, #tpu.memory_space<vmem>>
        %dma_start3A_104 = arith.constant 0 : i32
        %dma_start3A_105 = arith.constant 0 : i32
        %dma_start3A_106 = tpu.memref_slice %arg2[%dma_start3A_104, %dma_start3A_105] : memref<10000x128xf32, #tpu.memory_space<hbm>> -> memref<10000x128xf32, #tpu.memory_space<hbm>>
        tpu.enqueue_indirect_dma source(%dma_start3A_106 : memref<10000x128xf32, #tpu.memory_space<hbm>>) target(%arg13 : memref<128x128xf32, #tpu.memory_space<vmem>>) offsets(%dma_start3A_103 : memref<128xi32, #tpu.memory_space<vmem>>) semaphore(%arg15 : memref<!tpu.dma_semaphore, #tpu.memory_space<semaphore_mem>>)
      } else {
      }
      %eq3A_79 = arith.constant 1 : i32
      %eq3A_80 = arith.cmpi eq, %arg0, %eq3A_79 : i32
      %convert_element_type3A_81 = arith.extui %eq3A_80 : i1 to i32
      %cond3A_82 = arith.constant 0 : i32
      %cond3A_83 = arith.cmpi ne, %convert_element_type3A_81, %cond3A_82 : i32
      scf.if %cond3A_83 {
        %dma_start3A = arith.constant 0 : i32
        %dma_start3A_102 = tpu.memref_slice %arg10[%add3A_73, %dma_start3A] : memref<40x128xi32, #tpu.memory_space<vmem>> -> memref<1x128xi32, #tpu.memory_space<vmem>>
        %dma_start3A_103 = tpu.memref_squeeze %dma_start3A_102 : memref<1x128xi32, #tpu.memory_space<vmem>> -> memref<128xi32, #tpu.memory_space<vmem>>
        %dma_start3A_104 = arith.constant 0 : i32
        %dma_start3A_105 = arith.constant 0 : i32
        %dma_start3A_106 = tpu.memref_slice %arg3[%dma_start3A_104, %dma_start3A_105] : memref<10000x128xf32, #tpu.memory_space<hbm>> -> memref<10000x128xf32, #tpu.memory_space<hbm>>
        tpu.enqueue_indirect_dma source(%dma_start3A_106 : memref<10000x128xf32, #tpu.memory_space<hbm>>) target(%arg13 : memref<128x128xf32, #tpu.memory_space<vmem>>) offsets(%dma_start3A_103 : memref<128xi32, #tpu.memory_space<vmem>>) semaphore(%arg15 : memref<!tpu.dma_semaphore, #tpu.memory_space<semaphore_mem>>)
      } else {
      }
      %dma_wait3A = arith.constant 0 : i32
      %dma_wait3A_84 = tpu.memref_slice %arg10[%mul3A_71, %dma_wait3A] : memref<40x128xi32, #tpu.memory_space<vmem>> -> memref<1x128xi32, #tpu.memory_space<vmem>>
      %dma_wait3A_85 = tpu.memref_squeeze %dma_wait3A_84 : memref<1x128xi32, #tpu.memory_space<vmem>> -> memref<128xi32, #tpu.memory_space<vmem>>
      %dma_wait3A_86 = arith.constant 0 : i32
      %dma_wait3A_87 = arith.constant 0 : i32
      %dma_wait3A_88 = tpu.memref_slice %arg2[%dma_wait3A_86, %dma_wait3A_87] : memref<10000x128xf32, #tpu.memory_space<hbm>> -> memref<10000x128xf32, #tpu.memory_space<hbm>>
      tpu.wait_indirect_dma semaphore(%arg14 : memref<!tpu.dma_semaphore, #tpu.memory_space<semaphore_mem>>) src(%dma_wait3A_88 : memref<10000x128xf32, #tpu.memory_space<hbm>>) dst(%arg12 : memref<128x128xf32, #tpu.memory_space<vmem>>)
      "tpu.region"() ({
        %run_scoped3A = tpu.sem_alloc : memref<!tpu.dma_semaphore, #tpu.memory_space<semaphore_mem>>
        %dma_start3A = arith.constant 0 : i32
        %dma_start3A_102 = tpu.memref_slice %arg11[%mul3A_71, %dma_start3A] : memref<40x128xi32, #tpu.memory_space<vmem>> -> memref<1x128xi32, #tpu.memory_space<vmem>>
        %dma_start3A_103 = tpu.memref_squeeze %dma_start3A_102 : memref<1x128xi32, #tpu.memory_space<vmem>> -> memref<128xi32, #tpu.memory_space<vmem>>
        %dma_start3A_104 = arith.constant 0 : i32
        %dma_start3A_105 = arith.constant 0 : i32
        %dma_start3A_106 = tpu.memref_slice %arg9[%dma_start3A_104, %dma_start3A_105] : memref<10112x128xf32, #tpu.memory_space<vmem_shared>> -> memref<10112x128xf32, #tpu.memory_space<vmem_shared>>
        tpu.enqueue_indirect_dma source(%arg12 : memref<128x128xf32, #tpu.memory_space<vmem>>) target(%dma_start3A_106 : memref<10112x128xf32, #tpu.memory_space<vmem_shared>>) offsets(%dma_start3A_103 : memref<128xi32, #tpu.memory_space<vmem>>) semaphore(%run_scoped3A : memref<!tpu.dma_semaphore, #tpu.memory_space<semaphore_mem>>) {add = true}
        %dma_wait3A_107 = arith.constant 0 : i32
        %dma_wait3A_108 = tpu.memref_slice %arg11[%mul3A_71, %dma_wait3A_107] : memref<40x128xi32, #tpu.memory_space<vmem>> -> memref<1x128xi32, #tpu.memory_space<vmem>>
        %dma_wait3A_109 = tpu.memref_squeeze %dma_wait3A_108 : memref<1x128xi32, #tpu.memory_space<vmem>> -> memref<128xi32, #tpu.memory_space<vmem>>
        %dma_wait3A_110 = arith.constant 0 : i32
        %dma_wait3A_111 = arith.constant 0 : i32
        %dma_wait3A_112 = tpu.memref_slice %arg9[%dma_wait3A_110, %dma_wait3A_111] : memref<10112x128xf32, #tpu.memory_space<vmem_shared>> -> memref<10112x128xf32, #tpu.memory_space<vmem_shared>>
        tpu.wait_indirect_dma semaphore(%run_scoped3A : memref<!tpu.dma_semaphore, #tpu.memory_space<semaphore_mem>>) src(%arg12 : memref<128x128xf32, #tpu.memory_space<vmem>>) dst(%dma_wait3A_112 : memref<10112x128xf32, #tpu.memory_space<vmem_shared>>)
        tpu.yield
      }) : () -> ()
      %add3A_89 = arith.constant 2 : i32
      %add3A_90 = arith.addi %mul3A_71, %add3A_89 : i32
      %lt3A_91 = arith.constant 40 : i32
      %lt3A_92 = arith.cmpi slt, %add3A_90, %lt3A_91 : i32
      %convert_element_type3A_93 = arith.extui %lt3A_92 : i1 to i32
      %cond3A_94 = arith.constant 0 : i32
      %cond3A_95 = arith.cmpi ne, %convert_element_type3A_93, %cond3A_94 : i32
      scf.if %cond3A_95 {
        %add3A_102 = arith.constant 2 : i32
        %add3A_103 = arith.addi %mul3A_71, %add3A_102 : i32
        %eq3A_104 = arith.constant 0 : i32
        %eq3A_105 = arith.cmpi eq, %arg0, %eq3A_104 : i32
        %convert_element_type3A_106 = arith.extui %eq3A_105 : i1 to i32
        %cond3A_107 = arith.constant 0 : i32
        %cond3A_108 = arith.cmpi ne, %convert_element_type3A_106, %cond3A_107 : i32
        scf.if %cond3A_108 {
          %dma_start3A = arith.constant 0 : i32
          %dma_start3A_114 = tpu.memref_slice %arg10[%add3A_103, %dma_start3A] : memref<40x128xi32, #tpu.memory_space<vmem>> -> memref<1x128xi32, #tpu.memory_space<vmem>>
          %dma_start3A_115 = tpu.memref_squeeze %dma_start3A_114 : memref<1x128xi32, #tpu.memory_space<vmem>> -> memref<128xi32, #tpu.memory_space<vmem>>
          %dma_start3A_116 = arith.constant 0 : i32
          %dma_start3A_117 = arith.constant 0 : i32
          %dma_start3A_118 = tpu.memref_slice %arg2[%dma_start3A_116, %dma_start3A_117] : memref<10000x128xf32, #tpu.memory_space<hbm>> -> memref<10000x128xf32, #tpu.memory_space<hbm>>
          tpu.enqueue_indirect_dma source(%dma_start3A_118 : memref<10000x128xf32, #tpu.memory_space<hbm>>) target(%arg12 : memref<128x128xf32, #tpu.memory_space<vmem>>) offsets(%dma_start3A_115 : memref<128xi32, #tpu.memory_space<vmem>>) semaphore(%arg14 : memref<!tpu.dma_semaphore, #tpu.memory_space<semaphore_mem>>)
        } else {
        }
        %eq3A_109 = arith.constant 1 : i32
        %eq3A_110 = arith.cmpi eq, %arg0, %eq3A_109 : i32
        %convert_element_type3A_111 = arith.extui %eq3A_110 : i1 to i32
        %cond3A_112 = arith.constant 0 : i32
        %cond3A_113 = arith.cmpi ne, %convert_element_type3A_111, %cond3A_112 : i32
        scf.if %cond3A_113 {
          %dma_start3A = arith.constant 0 : i32
          %dma_start3A_114 = tpu.memref_slice %arg10[%add3A_103, %dma_start3A] : memref<40x128xi32, #tpu.memory_space<vmem>> -> memref<1x128xi32, #tpu.memory_space<vmem>>
          %dma_start3A_115 = tpu.memref_squeeze %dma_start3A_114 : memref<1x128xi32, #tpu.memory_space<vmem>> -> memref<128xi32, #tpu.memory_space<vmem>>
          %dma_start3A_116 = arith.constant 0 : i32
          %dma_start3A_117 = arith.constant 0 : i32
          %dma_start3A_118 = tpu.memref_slice %arg3[%dma_start3A_116, %dma_start3A_117] : memref<10000x128xf32, #tpu.memory_space<hbm>> -> memref<10000x128xf32, #tpu.memory_space<hbm>>
          tpu.enqueue_indirect_dma source(%dma_start3A_118 : memref<10000x128xf32, #tpu.memory_space<hbm>>) target(%arg12 : memref<128x128xf32, #tpu.memory_space<vmem>>) offsets(%dma_start3A_115 : memref<128xi32, #tpu.memory_space<vmem>>) semaphore(%arg14 : memref<!tpu.dma_semaphore, #tpu.memory_space<semaphore_mem>>)
        } else {
        }
      } else {
      }
      %dma_wait3A_96 = arith.constant 0 : i32
      %dma_wait3A_97 = tpu.memref_slice %arg10[%add3A_73, %dma_wait3A_96] : memref<40x128xi32, #tpu.memory_space<vmem>> -> memref<1x128xi32, #tpu.memory_space<vmem>>
      %dma_wait3A_98 = tpu.memref_squeeze %dma_wait3A_97 : memref<1x128xi32, #tpu.memory_space<vmem>> -> memref<128xi32, #tpu.memory_space<vmem>>
      %dma_wait3A_99 = arith.constant 0 : i32
      %dma_wait3A_100 = arith.constant 0 : i32
      %dma_wait3A_101 = tpu.memref_slice %arg2[%dma_wait3A_99, %dma_wait3A_100] : memref<10000x128xf32, #tpu.memory_space<hbm>> -> memref<10000x128xf32, #tpu.memory_space<hbm>>
      tpu.wait_indirect_dma semaphore(%arg15 : memref<!tpu.dma_semaphore, #tpu.memory_space<semaphore_mem>>) src(%dma_wait3A_101 : memref<10000x128xf32, #tpu.memory_space<hbm>>) dst(%arg13 : memref<128x128xf32, #tpu.memory_space<vmem>>)
      "tpu.region"() ({
        %run_scoped3A = tpu.sem_alloc : memref<!tpu.dma_semaphore, #tpu.memory_space<semaphore_mem>>
        %dma_start3A = arith.constant 0 : i32
        %dma_start3A_102 = tpu.memref_slice %arg11[%add3A_73, %dma_start3A] : memref<40x128xi32, #tpu.memory_space<vmem>> -> memref<1x128xi32, #tpu.memory_space<vmem>>
        %dma_start3A_103 = tpu.memref_squeeze %dma_start3A_102 : memref<1x128xi32, #tpu.memory_space<vmem>> -> memref<128xi32, #tpu.memory_space<vmem>>
        %dma_start3A_104 = arith.constant 0 : i32
        %dma_start3A_105 = arith.constant 0 : i32
        %dma_start3A_106 = tpu.memref_slice %arg9[%dma_start3A_104, %dma_start3A_105] : memref<10112x128xf32, #tpu.memory_space<vmem_shared>> -> memref<10112x128xf32, #tpu.memory_space<vmem_shared>>
        tpu.enqueue_indirect_dma source(%arg13 : memref<128x128xf32, #tpu.memory_space<vmem>>) target(%dma_start3A_106 : memref<10112x128xf32, #tpu.memory_space<vmem_shared>>) offsets(%dma_start3A_103 : memref<128xi32, #tpu.memory_space<vmem>>) semaphore(%run_scoped3A : memref<!tpu.dma_semaphore, #tpu.memory_space<semaphore_mem>>) {add = true}
        %dma_wait3A_107 = arith.constant 0 : i32
        %dma_wait3A_108 = tpu.memref_slice %arg11[%add3A_73, %dma_wait3A_107] : memref<40x128xi32, #tpu.memory_space<vmem>> -> memref<1x128xi32, #tpu.memory_space<vmem>>
        %dma_wait3A_109 = tpu.memref_squeeze %dma_wait3A_108 : memref<1x128xi32, #tpu.memory_space<vmem>> -> memref<128xi32, #tpu.memory_space<vmem>>
        %dma_wait3A_110 = arith.constant 0 : i32
        %dma_wait3A_111 = arith.constant 0 : i32
        %dma_wait3A_112 = tpu.memref_slice %arg9[%dma_wait3A_110, %dma_wait3A_111] : memref<10112x128xf32, #tpu.memory_space<vmem_shared>> -> memref<10112x128xf32, #tpu.memory_space<vmem_shared>>
        tpu.wait_indirect_dma semaphore(%run_scoped3A : memref<!tpu.dma_semaphore, #tpu.memory_space<semaphore_mem>>) src(%arg13 : memref<128x128xf32, #tpu.memory_space<vmem>>) dst(%dma_wait3A_112 : memref<10112x128xf32, #tpu.memory_space<vmem_shared>>)
        tpu.yield
      }) : () -> ()
    }
    %scan3A_37 = arith.constant 20 : i32
    %barrier3A_38 = arith.constant 0 : index
    tpu.barrier barrier_id(%barrier3A_38)
    %eq3A_39 = arith.constant 0 : i32
    %eq3A_40 = arith.cmpi eq, %arg0, %eq3A_39 : i32
    %lt3A = arith.constant 15 : i32
    %lt3A_41 = arith.cmpi slt, %arg1, %lt3A : i32
    %and3A = arith.andi %eq3A_40, %lt3A_41 : i1
    %convert_element_type3A_42 = arith.extui %and3A : i1 to i32
    %cond3A_43 = arith.constant 0 : i32
    %cond3A_44 = arith.cmpi ne, %convert_element_type3A_42, %cond3A_43 : i32
    scf.if %cond3A_44 {
      %mul3A_69 = arith.constant 632 : i32
      %mul3A_70 = arith.muli %arg1, %mul3A_69 : i32
      %mul3A_71 = arith.constant 632 : i32
      %mul3A_72 = arith.muli %arg1, %mul3A_71 : i32
      "tpu.region"() ({
        %run_scoped3A = tpu.sem_alloc : memref<!tpu.dma_semaphore, #tpu.memory_space<semaphore_mem>>
        %dma_start3A = arith.constant 0 : i32
        %dma_start3A_73 = tpu.memref_slice %arg7[%mul3A_72, %dma_start3A] : memref<10000x128xf32, #tpu.memory_space<hbm>> -> memref<632x128xf32, #tpu.memory_space<hbm>>
        %dma_start3A_74 = arith.constant 0 : i32
        %dma_start3A_75 = tpu.memref_slice %arg9[%mul3A_70, %dma_start3A_74] : memref<10112x128xf32, #tpu.memory_space<vmem_shared>> -> memref<632x128xf32, #tpu.memory_space<vmem_shared>>
        tpu.enqueue_dma source(%dma_start3A_75 : memref<632x128xf32, #tpu.memory_space<vmem_shared>>) target(%dma_start3A_73 : memref<632x128xf32, #tpu.memory_space<hbm>>) target_semaphore(%run_scoped3A : memref<!tpu.dma_semaphore, #tpu.memory_space<semaphore_mem>>)
        %dma_wait3A = arith.constant 0 : i32
        %dma_wait3A_76 = tpu.memref_slice %arg7[%mul3A_72, %dma_wait3A] : memref<10000x128xf32, #tpu.memory_space<hbm>> -> memref<632x128xf32, #tpu.memory_space<hbm>>
        %dma_wait3A_77 = arith.constant 0 : i32
        %dma_wait3A_78 = tpu.memref_slice %arg9[%mul3A_70, %dma_wait3A_77] : memref<10112x128xf32, #tpu.memory_space<vmem_shared>> -> memref<632x128xf32, #tpu.memory_space<vmem_shared>>
        tpu.wait_dma2 semaphore(%run_scoped3A : memref<!tpu.dma_semaphore, #tpu.memory_space<semaphore_mem>>) src(%dma_wait3A_78 : memref<632x128xf32, #tpu.memory_space<vmem_shared>>) dst(%dma_wait3A_76 : memref<632x128xf32, #tpu.memory_space<hbm>>)
        tpu.yield
      }) : () -> ()
    } else {
    }
    %eq3A_45 = arith.constant 0 : i32
    %eq3A_46 = arith.cmpi eq, %arg0, %eq3A_45 : i32
    %eq3A_47 = arith.constant 15 : i32
    %eq3A_48 = arith.cmpi eq, %arg1, %eq3A_47 : i32
    %and3A_49 = arith.andi %eq3A_46, %eq3A_48 : i1
    %convert_element_type3A_50 = arith.extui %and3A_49 : i1 to i32
    %cond3A_51 = arith.constant 0 : i32
    %cond3A_52 = arith.cmpi ne, %convert_element_type3A_50, %cond3A_51 : i32
    scf.if %cond3A_52 {
      "tpu.region"() ({
        %run_scoped3A = tpu.sem_alloc : memref<!tpu.dma_semaphore, #tpu.memory_space<semaphore_mem>>
        %dma_start3A = arith.constant 9480 : i32
        %dma_start3A_69 = arith.constant 0 : i32
        %dma_start3A_70 = tpu.memref_slice %arg7[%dma_start3A, %dma_start3A_69] : memref<10000x128xf32, #tpu.memory_space<hbm>> -> memref<520x128xf32, #tpu.memory_space<hbm>>
        %dma_start3A_71 = arith.constant 9480 : i32
        %dma_start3A_72 = arith.constant 0 : i32
        %dma_start3A_73 = tpu.memref_slice %arg9[%dma_start3A_71, %dma_start3A_72] : memref<10112x128xf32, #tpu.memory_space<vmem_shared>> -> memref<520x128xf32, #tpu.memory_space<vmem_shared>>
        tpu.enqueue_dma source(%dma_start3A_73 : memref<520x128xf32, #tpu.memory_space<vmem_shared>>) target(%dma_start3A_70 : memref<520x128xf32, #tpu.memory_space<hbm>>) target_semaphore(%run_scoped3A : memref<!tpu.dma_semaphore, #tpu.memory_space<semaphore_mem>>)
        %dma_wait3A = arith.constant 9480 : i32
        %dma_wait3A_74 = arith.constant 0 : i32
        %dma_wait3A_75 = tpu.memref_slice %arg7[%dma_wait3A, %dma_wait3A_74] : memref<10000x128xf32, #tpu.memory_space<hbm>> -> memref<520x128xf32, #tpu.memory_space<hbm>>
        %dma_wait3A_76 = arith.constant 9480 : i32
        %dma_wait3A_77 = arith.constant 0 : i32
        %dma_wait3A_78 = tpu.memref_slice %arg9[%dma_wait3A_76, %dma_wait3A_77] : memref<10112x128xf32, #tpu.memory_space<vmem_shared>> -> memref<520x128xf32, #tpu.memory_space<vmem_shared>>
        tpu.wait_dma2 semaphore(%run_scoped3A : memref<!tpu.dma_semaphore, #tpu.memory_space<semaphore_mem>>) src(%dma_wait3A_78 : memref<520x128xf32, #tpu.memory_space<vmem_shared>>) dst(%dma_wait3A_75 : memref<520x128xf32, #tpu.memory_space<hbm>>)
        tpu.yield
      }) : () -> ()
    } else {
    }
    %eq3A_53 = arith.constant 1 : i32
    %eq3A_54 = arith.cmpi eq, %arg0, %eq3A_53 : i32
    %lt3A_55 = arith.constant 15 : i32
    %lt3A_56 = arith.cmpi slt, %arg1, %lt3A_55 : i32
    %and3A_57 = arith.andi %eq3A_54, %lt3A_56 : i1
    %convert_element_type3A_58 = arith.extui %and3A_57 : i1 to i32
    %cond3A_59 = arith.constant 0 : i32
    %cond3A_60 = arith.cmpi ne, %convert_element_type3A_58, %cond3A_59 : i32
    scf.if %cond3A_60 {
      %mul3A_69 = arith.constant 632 : i32
      %mul3A_70 = arith.muli %arg1, %mul3A_69 : i32
      %mul3A_71 = arith.constant 632 : i32
      %mul3A_72 = arith.muli %arg1, %mul3A_71 : i32
      "tpu.region"() ({
        %run_scoped3A = tpu.sem_alloc : memref<!tpu.dma_semaphore, #tpu.memory_space<semaphore_mem>>
        %dma_start3A = arith.constant 0 : i32
        %dma_start3A_73 = tpu.memref_slice %arg8[%mul3A_72, %dma_start3A] : memref<10000x128xf32, #tpu.memory_space<hbm>> -> memref<632x128xf32, #tpu.memory_space<hbm>>
        %dma_start3A_74 = arith.constant 0 : i32
        %dma_start3A_75 = tpu.memref_slice %arg9[%mul3A_70, %dma_start3A_74] : memref<10112x128xf32, #tpu.memory_space<vmem_shared>> -> memref<632x128xf32, #tpu.memory_space<vmem_shared>>
        tpu.enqueue_dma source(%dma_start3A_75 : memref<632x128xf32, #tpu.memory_space<vmem_shared>>) target(%dma_start3A_73 : memref<632x128xf32, #tpu.memory_space<hbm>>) target_semaphore(%run_scoped3A : memref<!tpu.dma_semaphore, #tpu.memory_space<semaphore_mem>>)
        %dma_wait3A = arith.constant 0 : i32
        %dma_wait3A_76 = tpu.memref_slice %arg8[%mul3A_72, %dma_wait3A] : memref<10000x128xf32, #tpu.memory_space<hbm>> -> memref<632x128xf32, #tpu.memory_space<hbm>>
        %dma_wait3A_77 = arith.constant 0 : i32
        %dma_wait3A_78 = tpu.memref_slice %arg9[%mul3A_70, %dma_wait3A_77] : memref<10112x128xf32, #tpu.memory_space<vmem_shared>> -> memref<632x128xf32, #tpu.memory_space<vmem_shared>>
        tpu.wait_dma2 semaphore(%run_scoped3A : memref<!tpu.dma_semaphore, #tpu.memory_space<semaphore_mem>>) src(%dma_wait3A_78 : memref<632x128xf32, #tpu.memory_space<vmem_shared>>) dst(%dma_wait3A_76 : memref<632x128xf32, #tpu.memory_space<hbm>>)
        tpu.yield
      }) : () -> ()
    } else {
    }
    %eq3A_61 = arith.constant 1 : i32
    %eq3A_62 = arith.cmpi eq, %arg0, %eq3A_61 : i32
    %eq3A_63 = arith.constant 15 : i32
    %eq3A_64 = arith.cmpi eq, %arg1, %eq3A_63 : i32
    %and3A_65 = arith.andi %eq3A_62, %eq3A_64 : i1
    %convert_element_type3A_66 = arith.extui %and3A_65 : i1 to i32
    %cond3A_67 = arith.constant 0 : i32
    %cond3A_68 = arith.cmpi ne, %convert_element_type3A_66, %cond3A_67 : i32
    scf.if %cond3A_68 {
      "tpu.region"() ({
        %run_scoped3A = tpu.sem_alloc : memref<!tpu.dma_semaphore, #tpu.memory_space<semaphore_mem>>
        %dma_start3A = arith.constant 9480 : i32
        %dma_start3A_69 = arith.constant 0 : i32
        %dma_start3A_70 = tpu.memref_slice %arg8[%dma_start3A, %dma_start3A_69] : memref<10000x128xf32, #tpu.memory_space<hbm>> -> memref<520x128xf32, #tpu.memory_space<hbm>>
        %dma_start3A_71 = arith.constant 9480 : i32
        %dma_start3A_72 = arith.constant 0 : i32
        %dma_start3A_73 = tpu.memref_slice %arg9[%dma_start3A_71, %dma_start3A_72] : memref<10112x128xf32, #tpu.memory_space<vmem_shared>> -> memref<520x128xf32, #tpu.memory_space<vmem_shared>>
        tpu.enqueue_dma source(%dma_start3A_73 : memref<520x128xf32, #tpu.memory_space<vmem_shared>>) target(%dma_start3A_70 : memref<520x128xf32, #tpu.memory_space<hbm>>) target_semaphore(%run_scoped3A : memref<!tpu.dma_semaphore, #tpu.memory_space<semaphore_mem>>)
        %dma_wait3A = arith.constant 9480 : i32
        %dma_wait3A_74 = arith.constant 0 : i32
        %dma_wait3A_75 = tpu.memref_slice %arg8[%dma_wait3A, %dma_wait3A_74] : memref<10000x128xf32, #tpu.memory_space<hbm>> -> memref<520x128xf32, #tpu.memory_space<hbm>>
        %dma_wait3A_76 = arith.constant 9480 : i32
        %dma_wait3A_77 = arith.constant 0 : i32
        %dma_wait3A_78 = tpu.memref_slice %arg9[%dma_wait3A_76, %dma_wait3A_77] : memref<10112x128xf32, #tpu.memory_space<vmem_shared>> -> memref<520x128xf32, #tpu.memory_space<vmem_shared>>
        tpu.wait_dma2 semaphore(%run_scoped3A : memref<!tpu.dma_semaphore, #tpu.memory_space<semaphore_mem>>) src(%dma_wait3A_78 : memref<520x128xf32, #tpu.memory_space<vmem_shared>>) dst(%dma_wait3A_75 : memref<520x128xf32, #tpu.memory_space<hbm>>)
        tpu.yield
      }) : () -> ()
    } else {
    }
    return
  }
}

#map = affine_map<(d0, d1) -> (0, 0)>
module attributes {stable_mosaic.version = 14 : i64} {
  func.func @_segsum(%arg0: i32, %arg1: i32, %arg2: memref<10000x128xf32, #tpu.memory_space<hbm>>, %arg3: memref<10000x128xf32, #tpu.memory_space<hbm>>, %arg4: memref<1280x128xi32, #tpu.memory_space<hbm>>, %arg5: memref<1280x128xi32, #tpu.memory_space<hbm>>, %arg6: memref<10112x128xf32, #tpu.memory_space<hbm>>, %arg7: memref<10000x128xf32, #tpu.memory_space<hbm>>, %arg8: memref<10000x128xf32, #tpu.memory_space<hbm>>, %arg9: memref<10112x128xf32, #tpu.memory_space<vmem_shared>>, %arg10: memref<40x128xi32, #tpu.memory_space<vmem>>, %arg11: memref<40x128xi32, #tpu.memory_space<vmem>>, %arg12: memref<128x128xf32, #tpu.memory_space<vmem>>, %arg13: memref<128x128xf32, #tpu.memory_space<vmem>>, %arg14: memref<!tpu.dma_semaphore, #tpu.memory_space<semaphore_mem>>, %arg15: memref<!tpu.dma_semaphore, #tpu.memory_space<semaphore_mem>>) attributes {dimension_semantics = [#tpu.dimension_semantics<core_parallel>, #tpu.dimension_semantics<subcore_parallel>], iteration_bounds = array<i64: 2, 16>, scalar_prefetch = 0 : i64, scratch_operands = 7 : i64, tpu.core_type = #tpu.core_type<sc_vector_subcore>, window_params = [{transform_indices = #map}, {transform_indices = #map}, {transform_indices = #map}, {transform_indices = #map}, {transform_indices = #map}, {transform_indices = #map}, {transform_indices = #map}]} {
    %mul3A = arith.constant 632 : i32
    %mul3A_0 = arith.muli %arg1, %mul3A : i32
    %mul3A_1 = arith.constant 632 : i32
    %mul3A_2 = arith.muli %arg1, %mul3A_1 : i32
    "tpu.region"() ({
      %run_scoped3A = tpu.sem_alloc : memref<!tpu.dma_semaphore, #tpu.memory_space<semaphore_mem>>
      %dma_start3A = arith.constant 0 : i32
      %dma_start3A_69 = tpu.memref_slice %arg9[%mul3A_2, %dma_start3A] : memref<10112x128xf32, #tpu.memory_space<vmem_shared>> -> memref<632x128xf32, #tpu.memory_space<vmem_shared>>
      %dma_start3A_70 = arith.constant 0 : i32
      %dma_start3A_71 = tpu.memref_slice %arg6[%mul3A_0, %dma_start3A_70] : memref<10112x128xf32, #tpu.memory_space<hbm>> -> memref<632x128xf32, #tpu.memory_space<hbm>>
      tpu.enqueue_dma source(%dma_start3A_71 : memref<632x128xf32, #tpu.memory_space<hbm>>) target(%dma_start3A_69 : memref<632x128xf32, #tpu.memory_space<vmem_shared>>) target_semaphore(%run_scoped3A : memref<!tpu.dma_semaphore, #tpu.memory_space<semaphore_mem>>)
      %dma_wait3A = arith.constant 0 : i32
      %dma_wait3A_72 = tpu.memref_slice %arg9[%mul3A_2, %dma_wait3A] : memref<10112x128xf32, #tpu.memory_space<vmem_shared>> -> memref<632x128xf32, #tpu.memory_space<vmem_shared>>
      %dma_wait3A_73 = arith.constant 0 : i32
      %dma_wait3A_74 = tpu.memref_slice %arg6[%mul3A_0, %dma_wait3A_73] : memref<10112x128xf32, #tpu.memory_space<hbm>> -> memref<632x128xf32, #tpu.memory_space<hbm>>
      tpu.wait_dma2 semaphore(%run_scoped3A : memref<!tpu.dma_semaphore, #tpu.memory_space<semaphore_mem>>) src(%dma_wait3A_74 : memref<632x128xf32, #tpu.memory_space<hbm>>) dst(%dma_wait3A_72 : memref<632x128xf32, #tpu.memory_space<vmem_shared>>)
      tpu.yield
    }) : () -> ()
    %barrier3A = arith.constant 0 : index
    tpu.barrier barrier_id(%barrier3A)
    %mul3A_3 = arith.constant 80 : i32
    %mul3A_4 = arith.muli %arg1, %mul3A_3 : i32
    %add3A = arith.constant 0 : i32
    %add3A_5 = arith.addi %mul3A_4, %add3A : i32
    "tpu.region"() ({
      %run_scoped3A = tpu.sem_alloc : memref<!tpu.dma_semaphore, #tpu.memory_space<semaphore_mem>>
      %dma_start3A = arith.constant 0 : i32
      %dma_start3A_69 = tpu.memref_slice %arg4[%add3A_5, %dma_start3A] : memref<1280x128xi32, #tpu.memory_space<hbm>> -> memref<40x128xi32, #tpu.memory_space<hbm>>
      %dma_start3A_70 = arith.constant 0 : i32
      %dma_start3A_71 = tpu.memref_slice %arg4[%add3A_5, %dma_start3A_70] : memref<1280x128xi32, #tpu.memory_space<hbm>> -> memref<40x128xi32, #tpu.memory_space<hbm>>
      tpu.enqueue_dma source(%dma_start3A_71 : memref<40x128xi32, #tpu.memory_space<hbm>>) target(%arg10 : memref<40x128xi32, #tpu.memory_space<vmem>>) target_semaphore(%run_scoped3A : memref<!tpu.dma_semaphore, #tpu.memory_space<semaphore_mem>>)
      %dma_wait3A = arith.constant 0 : i32
      %dma_wait3A_72 = tpu.memref_slice %arg4[%add3A_5, %dma_wait3A] : memref<1280x128xi32, #tpu.memory_space<hbm>> -> memref<40x128xi32, #tpu.memory_space<hbm>>
      %dma_wait3A_73 = arith.constant 0 : i32
      %dma_wait3A_74 = tpu.memref_slice %arg4[%add3A_5, %dma_wait3A_73] : memref<1280x128xi32, #tpu.memory_space<hbm>> -> memref<40x128xi32, #tpu.memory_space<hbm>>
      tpu.wait_dma2 semaphore(%run_scoped3A : memref<!tpu.dma_semaphore, #tpu.memory_space<semaphore_mem>>) src(%dma_wait3A_74 : memref<40x128xi32, #tpu.memory_space<hbm>>) dst(%arg10 : memref<40x128xi32, #tpu.memory_space<vmem>>)
      tpu.yield
    }) : () -> ()
    "tpu.region"() ({
      %run_scoped3A = tpu.sem_alloc : memref<!tpu.dma_semaphore, #tpu.memory_space<semaphore_mem>>
      %dma_start3A = arith.constant 0 : i32
      %dma_start3A_69 = tpu.memref_slice %arg5[%add3A_5, %dma_start3A] : memref<1280x128xi32, #tpu.memory_space<hbm>> -> memref<40x128xi32, #tpu.memory_space<hbm>>
      %dma_start3A_70 = arith.constant 0 : i32
      %dma_start3A_71 = tpu.memref_slice %arg5[%add3A_5, %dma_start3A_70] : memref<1280x128xi32, #tpu.memory_space<hbm>> -> memref<40x128xi32, #tpu.memory_space<hbm>>
      tpu.enqueue_dma source(%dma_start3A_71 : memref<40x128xi32, #tpu.memory_space<hbm>>) target(%arg11 : memref<40x128xi32, #tpu.memory_space<vmem>>) target_semaphore(%run_scoped3A : memref<!tpu.dma_semaphore, #tpu.memory_space<semaphore_mem>>)
      %dma_wait3A = arith.constant 0 : i32
      %dma_wait3A_72 = tpu.memref_slice %arg5[%add3A_5, %dma_wait3A] : memref<1280x128xi32, #tpu.memory_space<hbm>> -> memref<40x128xi32, #tpu.memory_space<hbm>>
      %dma_wait3A_73 = arith.constant 0 : i32
      %dma_wait3A_74 = tpu.memref_slice %arg5[%add3A_5, %dma_wait3A_73] : memref<1280x128xi32, #tpu.memory_space<hbm>> -> memref<40x128xi32, #tpu.memory_space<hbm>>
      tpu.wait_dma2 semaphore(%run_scoped3A : memref<!tpu.dma_semaphore, #tpu.memory_space<semaphore_mem>>) src(%dma_wait3A_74 : memref<40x128xi32, #tpu.memory_space<hbm>>) dst(%arg11 : memref<40x128xi32, #tpu.memory_space<vmem>>)
      tpu.yield
    }) : () -> ()
    %eq3A = arith.constant 0 : i32
    %eq3A_6 = arith.cmpi eq, %arg0, %eq3A : i32
    %convert_element_type3A = arith.extui %eq3A_6 : i1 to i32
    %cond3A = arith.constant 0 : i32
    %cond3A_7 = arith.cmpi ne, %convert_element_type3A, %cond3A : i32
    scf.if %cond3A_7 {
      %dma_start3A = arith.constant 0 : i32
      %dma_start3A_69 = arith.constant 0 : i32
      %dma_start3A_70 = tpu.memref_slice %arg10[%dma_start3A, %dma_start3A_69] : memref<40x128xi32, #tpu.memory_space<vmem>> -> memref<1x128xi32, #tpu.memory_space<vmem>>
      %dma_start3A_71 = tpu.memref_squeeze %dma_start3A_70 : memref<1x128xi32, #tpu.memory_space<vmem>> -> memref<128xi32, #tpu.memory_space<vmem>>
      %dma_start3A_72 = arith.constant 0 : i32
      %dma_start3A_73 = arith.constant 0 : i32
      %dma_start3A_74 = tpu.memref_slice %arg2[%dma_start3A_72, %dma_start3A_73] : memref<10000x128xf32, #tpu.memory_space<hbm>> -> memref<10000x128xf32, #tpu.memory_space<hbm>>
      tpu.enqueue_indirect_dma source(%dma_start3A_74 : memref<10000x128xf32, #tpu.memory_space<hbm>>) target(%arg12 : memref<128x128xf32, #tpu.memory_space<vmem>>) offsets(%dma_start3A_71 : memref<128xi32, #tpu.memory_space<vmem>>) semaphore(%arg14 : memref<!tpu.dma_semaphore, #tpu.memory_space<semaphore_mem>>)
    } else {
    }
    %eq3A_8 = arith.constant 1 : i32
    %eq3A_9 = arith.cmpi eq, %arg0, %eq3A_8 : i32
    %convert_element_type3A_10 = arith.extui %eq3A_9 : i1 to i32
    %cond3A_11 = arith.constant 0 : i32
    %cond3A_12 = arith.cmpi ne, %convert_element_type3A_10, %cond3A_11 : i32
    scf.if %cond3A_12 {
      %dma_start3A = arith.constant 0 : i32
      %dma_start3A_69 = arith.constant 0 : i32
      %dma_start3A_70 = tpu.memref_slice %arg10[%dma_start3A, %dma_start3A_69] : memref<40x128xi32, #tpu.memory_space<vmem>> -> memref<1x128xi32, #tpu.memory_space<vmem>>
      %dma_start3A_71 = tpu.memref_squeeze %dma_start3A_70 : memref<1x128xi32, #tpu.memory_space<vmem>> -> memref<128xi32, #tpu.memory_space<vmem>>
      %dma_start3A_72 = arith.constant 0 : i32
      %dma_start3A_73 = arith.constant 0 : i32
      %dma_start3A_74 = tpu.memref_slice %arg3[%dma_start3A_72, %dma_start3A_73] : memref<10000x128xf32, #tpu.memory_space<hbm>> -> memref<10000x128xf32, #tpu.memory_space<hbm>>
      tpu.enqueue_indirect_dma source(%dma_start3A_74 : memref<10000x128xf32, #tpu.memory_space<hbm>>) target(%arg12 : memref<128x128xf32, #tpu.memory_space<vmem>>) offsets(%dma_start3A_71 : memref<128xi32, #tpu.memory_space<vmem>>) semaphore(%arg14 : memref<!tpu.dma_semaphore, #tpu.memory_space<semaphore_mem>>)
    } else {
    }
    %scan3A = arith.constant 0 : i32
    %scan3A_13 = arith.constant 0 : i32
    %scan3A_14 = arith.constant 20 : i32
    %scan3A_15 = arith.addi %scan3A_13, %scan3A_14 : i32
    %scan3A_16 = arith.constant 1 : i32
    scf.for %scan3A_69 = %scan3A_13 to %scan3A_15 step %scan3A_16  : i32 {
      %mul3A_70 = arith.constant 2 : i32
      %mul3A_71 = arith.muli %mul3A_70, %scan3A_69 : i32
      %add3A_72 = arith.constant 1 : i32
      %add3A_73 = arith.addi %mul3A_71, %add3A_72 : i32
      %eq3A_74 = arith.constant 0 : i32
      %eq3A_75 = arith.cmpi eq, %arg0, %eq3A_74 : i32
      %convert_element_type3A_76 = arith.extui %eq3A_75 : i1 to i32
      %cond3A_77 = arith.constant 0 : i32
      %cond3A_78 = arith.cmpi ne, %convert_element_type3A_76, %cond3A_77 : i32
      scf.if %cond3A_78 {
        %dma_start3A = arith.constant 0 : i32
        %dma_start3A_102 = tpu.memref_slice %arg10[%add3A_73, %dma_start3A] : memref<40x128xi32, #tpu.memory_space<vmem>> -> memref<1x128xi32, #tpu.memory_space<vmem>>
        %dma_start3A_103 = tpu.memref_squeeze %dma_start3A_102 : memref<1x128xi32, #tpu.memory_space<vmem>> -> memref<128xi32, #tpu.memory_space<vmem>>
        %dma_start3A_104 = arith.constant 0 : i32
        %dma_start3A_105 = arith.constant 0 : i32
        %dma_start3A_106 = tpu.memref_slice %arg2[%dma_start3A_104, %dma_start3A_105] : memref<10000x128xf32, #tpu.memory_space<hbm>> -> memref<10000x128xf32, #tpu.memory_space<hbm>>
        tpu.enqueue_indirect_dma source(%dma_start3A_106 : memref<10000x128xf32, #tpu.memory_space<hbm>>) target(%arg13 : memref<128x128xf32, #tpu.memory_space<vmem>>) offsets(%dma_start3A_103 : memref<128xi32, #tpu.memory_space<vmem>>) semaphore(%arg15 : memref<!tpu.dma_semaphore, #tpu.memory_space<semaphore_mem>>)
      } else {
      }
      %eq3A_79 = arith.constant 1 : i32
      %eq3A_80 = arith.cmpi eq, %arg0, %eq3A_79 : i32
      %convert_element_type3A_81 = arith.extui %eq3A_80 : i1 to i32
      %cond3A_82 = arith.constant 0 : i32
      %cond3A_83 = arith.cmpi ne, %convert_element_type3A_81, %cond3A_82 : i32
      scf.if %cond3A_83 {
        %dma_start3A = arith.constant 0 : i32
        %dma_start3A_102 = tpu.memref_slice %arg10[%add3A_73, %dma_start3A] : memref<40x128xi32, #tpu.memory_space<vmem>> -> memref<1x128xi32, #tpu.memory_space<vmem>>
        %dma_start3A_103 = tpu.memref_squeeze %dma_start3A_102 : memref<1x128xi32, #tpu.memory_space<vmem>> -> memref<128xi32, #tpu.memory_space<vmem>>
        %dma_start3A_104 = arith.constant 0 : i32
        %dma_start3A_105 = arith.constant 0 : i32
        %dma_start3A_106 = tpu.memref_slice %arg3[%dma_start3A_104, %dma_start3A_105] : memref<10000x128xf32, #tpu.memory_space<hbm>> -> memref<10000x128xf32, #tpu.memory_space<hbm>>
        tpu.enqueue_indirect_dma source(%dma_start3A_106 : memref<10000x128xf32, #tpu.memory_space<hbm>>) target(%arg13 : memref<128x128xf32, #tpu.memory_space<vmem>>) offsets(%dma_start3A_103 : memref<128xi32, #tpu.memory_space<vmem>>) semaphore(%arg15 : memref<!tpu.dma_semaphore, #tpu.memory_space<semaphore_mem>>)
      } else {
      }
      %dma_wait3A = arith.constant 0 : i32
      %dma_wait3A_84 = tpu.memref_slice %arg10[%mul3A_71, %dma_wait3A] : memref<40x128xi32, #tpu.memory_space<vmem>> -> memref<1x128xi32, #tpu.memory_space<vmem>>
      %dma_wait3A_85 = tpu.memref_squeeze %dma_wait3A_84 : memref<1x128xi32, #tpu.memory_space<vmem>> -> memref<128xi32, #tpu.memory_space<vmem>>
      %dma_wait3A_86 = arith.constant 0 : i32
      %dma_wait3A_87 = arith.constant 0 : i32
      %dma_wait3A_88 = tpu.memref_slice %arg2[%dma_wait3A_86, %dma_wait3A_87] : memref<10000x128xf32, #tpu.memory_space<hbm>> -> memref<10000x128xf32, #tpu.memory_space<hbm>>
      tpu.wait_indirect_dma semaphore(%arg14 : memref<!tpu.dma_semaphore, #tpu.memory_space<semaphore_mem>>) src(%dma_wait3A_88 : memref<10000x128xf32, #tpu.memory_space<hbm>>) dst(%arg12 : memref<128x128xf32, #tpu.memory_space<vmem>>)
      "tpu.region"() ({
        %run_scoped3A = tpu.sem_alloc : memref<!tpu.dma_semaphore, #tpu.memory_space<semaphore_mem>>
        %dma_start3A = arith.constant 0 : i32
        %dma_start3A_102 = tpu.memref_slice %arg11[%mul3A_71, %dma_start3A] : memref<40x128xi32, #tpu.memory_space<vmem>> -> memref<1x128xi32, #tpu.memory_space<vmem>>
        %dma_start3A_103 = tpu.memref_squeeze %dma_start3A_102 : memref<1x128xi32, #tpu.memory_space<vmem>> -> memref<128xi32, #tpu.memory_space<vmem>>
        %dma_start3A_104 = arith.constant 0 : i32
        %dma_start3A_105 = arith.constant 0 : i32
        %dma_start3A_106 = tpu.memref_slice %arg9[%dma_start3A_104, %dma_start3A_105] : memref<10112x128xf32, #tpu.memory_space<vmem_shared>> -> memref<10112x128xf32, #tpu.memory_space<vmem_shared>>
        tpu.enqueue_indirect_dma source(%arg12 : memref<128x128xf32, #tpu.memory_space<vmem>>) target(%dma_start3A_106 : memref<10112x128xf32, #tpu.memory_space<vmem_shared>>) offsets(%dma_start3A_103 : memref<128xi32, #tpu.memory_space<vmem>>) semaphore(%run_scoped3A : memref<!tpu.dma_semaphore, #tpu.memory_space<semaphore_mem>>) {add = true}
        %dma_wait3A_107 = arith.constant 0 : i32
        %dma_wait3A_108 = tpu.memref_slice %arg11[%mul3A_71, %dma_wait3A_107] : memref<40x128xi32, #tpu.memory_space<vmem>> -> memref<1x128xi32, #tpu.memory_space<vmem>>
        %dma_wait3A_109 = tpu.memref_squeeze %dma_wait3A_108 : memref<1x128xi32, #tpu.memory_space<vmem>> -> memref<128xi32, #tpu.memory_space<vmem>>
        %dma_wait3A_110 = arith.constant 0 : i32
        %dma_wait3A_111 = arith.constant 0 : i32
        %dma_wait3A_112 = tpu.memref_slice %arg9[%dma_wait3A_110, %dma_wait3A_111] : memref<10112x128xf32, #tpu.memory_space<vmem_shared>> -> memref<10112x128xf32, #tpu.memory_space<vmem_shared>>
        tpu.wait_indirect_dma semaphore(%run_scoped3A : memref<!tpu.dma_semaphore, #tpu.memory_space<semaphore_mem>>) src(%arg12 : memref<128x128xf32, #tpu.memory_space<vmem>>) dst(%dma_wait3A_112 : memref<10112x128xf32, #tpu.memory_space<vmem_shared>>)
        tpu.yield
      }) : () -> ()
      %add3A_89 = arith.constant 2 : i32
      %add3A_90 = arith.addi %mul3A_71, %add3A_89 : i32
      %lt3A_91 = arith.constant 40 : i32
      %lt3A_92 = arith.cmpi slt, %add3A_90, %lt3A_91 : i32
      %convert_element_type3A_93 = arith.extui %lt3A_92 : i1 to i32
      %cond3A_94 = arith.constant 0 : i32
      %cond3A_95 = arith.cmpi ne, %convert_element_type3A_93, %cond3A_94 : i32
      scf.if %cond3A_95 {
        %add3A_102 = arith.constant 2 : i32
        %add3A_103 = arith.addi %mul3A_71, %add3A_102 : i32
        %eq3A_104 = arith.constant 0 : i32
        %eq3A_105 = arith.cmpi eq, %arg0, %eq3A_104 : i32
        %convert_element_type3A_106 = arith.extui %eq3A_105 : i1 to i32
        %cond3A_107 = arith.constant 0 : i32
        %cond3A_108 = arith.cmpi ne, %convert_element_type3A_106, %cond3A_107 : i32
        scf.if %cond3A_108 {
          %dma_start3A = arith.constant 0 : i32
          %dma_start3A_114 = tpu.memref_slice %arg10[%add3A_103, %dma_start3A] : memref<40x128xi32, #tpu.memory_space<vmem>> -> memref<1x128xi32, #tpu.memory_space<vmem>>
          %dma_start3A_115 = tpu.memref_squeeze %dma_start3A_114 : memref<1x128xi32, #tpu.memory_space<vmem>> -> memref<128xi32, #tpu.memory_space<vmem>>
          %dma_start3A_116 = arith.constant 0 : i32
          %dma_start3A_117 = arith.constant 0 : i32
          %dma_start3A_118 = tpu.memref_slice %arg2[%dma_start3A_116, %dma_start3A_117] : memref<10000x128xf32, #tpu.memory_space<hbm>> -> memref<10000x128xf32, #tpu.memory_space<hbm>>
          tpu.enqueue_indirect_dma source(%dma_start3A_118 : memref<10000x128xf32, #tpu.memory_space<hbm>>) target(%arg12 : memref<128x128xf32, #tpu.memory_space<vmem>>) offsets(%dma_start3A_115 : memref<128xi32, #tpu.memory_space<vmem>>) semaphore(%arg14 : memref<!tpu.dma_semaphore, #tpu.memory_space<semaphore_mem>>)
        } else {
        }
        %eq3A_109 = arith.constant 1 : i32
        %eq3A_110 = arith.cmpi eq, %arg0, %eq3A_109 : i32
        %convert_element_type3A_111 = arith.extui %eq3A_110 : i1 to i32
        %cond3A_112 = arith.constant 0 : i32
        %cond3A_113 = arith.cmpi ne, %convert_element_type3A_111, %cond3A_112 : i32
        scf.if %cond3A_113 {
          %dma_start3A = arith.constant 0 : i32
          %dma_start3A_114 = tpu.memref_slice %arg10[%add3A_103, %dma_start3A] : memref<40x128xi32, #tpu.memory_space<vmem>> -> memref<1x128xi32, #tpu.memory_space<vmem>>
          %dma_start3A_115 = tpu.memref_squeeze %dma_start3A_114 : memref<1x128xi32, #tpu.memory_space<vmem>> -> memref<128xi32, #tpu.memory_space<vmem>>
          %dma_start3A_116 = arith.constant 0 : i32
          %dma_start3A_117 = arith.constant 0 : i32
          %dma_start3A_118 = tpu.memref_slice %arg3[%dma_start3A_116, %dma_start3A_117] : memref<10000x128xf32, #tpu.memory_space<hbm>> -> memref<10000x128xf32, #tpu.memory_space<hbm>>
          tpu.enqueue_indirect_dma source(%dma_start3A_118 : memref<10000x128xf32, #tpu.memory_space<hbm>>) target(%arg12 : memref<128x128xf32, #tpu.memory_space<vmem>>) offsets(%dma_start3A_115 : memref<128xi32, #tpu.memory_space<vmem>>) semaphore(%arg14 : memref<!tpu.dma_semaphore, #tpu.memory_space<semaphore_mem>>)
        } else {
        }
      } else {
      }
      %dma_wait3A_96 = arith.constant 0 : i32
      %dma_wait3A_97 = tpu.memref_slice %arg10[%add3A_73, %dma_wait3A_96] : memref<40x128xi32, #tpu.memory_space<vmem>> -> memref<1x128xi32, #tpu.memory_space<vmem>>
      %dma_wait3A_98 = tpu.memref_squeeze %dma_wait3A_97 : memref<1x128xi32, #tpu.memory_space<vmem>> -> memref<128xi32, #tpu.memory_space<vmem>>
      %dma_wait3A_99 = arith.constant 0 : i32
      %dma_wait3A_100 = arith.constant 0 : i32
      %dma_wait3A_101 = tpu.memref_slice %arg2[%dma_wait3A_99, %dma_wait3A_100] : memref<10000x128xf32, #tpu.memory_space<hbm>> -> memref<10000x128xf32, #tpu.memory_space<hbm>>
      tpu.wait_indirect_dma semaphore(%arg15 : memref<!tpu.dma_semaphore, #tpu.memory_space<semaphore_mem>>) src(%dma_wait3A_101 : memref<10000x128xf32, #tpu.memory_space<hbm>>) dst(%arg13 : memref<128x128xf32, #tpu.memory_space<vmem>>)
      "tpu.region"() ({
        %run_scoped3A = tpu.sem_alloc : memref<!tpu.dma_semaphore, #tpu.memory_space<semaphore_mem>>
        %dma_start3A = arith.constant 0 : i32
        %dma_start3A_102 = tpu.memref_slice %arg11[%add3A_73, %dma_start3A] : memref<40x128xi32, #tpu.memory_space<vmem>> -> memref<1x128xi32, #tpu.memory_space<vmem>>
        %dma_start3A_103 = tpu.memref_squeeze %dma_start3A_102 : memref<1x128xi32, #tpu.memory_space<vmem>> -> memref<128xi32, #tpu.memory_space<vmem>>
        %dma_start3A_104 = arith.constant 0 : i32
        %dma_start3A_105 = arith.constant 0 : i32
        %dma_start3A_106 = tpu.memref_slice %arg9[%dma_start3A_104, %dma_start3A_105] : memref<10112x128xf32, #tpu.memory_space<vmem_shared>> -> memref<10112x128xf32, #tpu.memory_space<vmem_shared>>
        tpu.enqueue_indirect_dma source(%arg13 : memref<128x128xf32, #tpu.memory_space<vmem>>) target(%dma_start3A_106 : memref<10112x128xf32, #tpu.memory_space<vmem_shared>>) offsets(%dma_start3A_103 : memref<128xi32, #tpu.memory_space<vmem>>) semaphore(%run_scoped3A : memref<!tpu.dma_semaphore, #tpu.memory_space<semaphore_mem>>) {add = true}
        %dma_wait3A_107 = arith.constant 0 : i32
        %dma_wait3A_108 = tpu.memref_slice %arg11[%add3A_73, %dma_wait3A_107] : memref<40x128xi32, #tpu.memory_space<vmem>> -> memref<1x128xi32, #tpu.memory_space<vmem>>
        %dma_wait3A_109 = tpu.memref_squeeze %dma_wait3A_108 : memref<1x128xi32, #tpu.memory_space<vmem>> -> memref<128xi32, #tpu.memory_space<vmem>>
        %dma_wait3A_110 = arith.constant 0 : i32
        %dma_wait3A_111 = arith.constant 0 : i32
        %dma_wait3A_112 = tpu.memref_slice %arg9[%dma_wait3A_110, %dma_wait3A_111] : memref<10112x128xf32, #tpu.memory_space<vmem_shared>> -> memref<10112x128xf32, #tpu.memory_space<vmem_shared>>
        tpu.wait_indirect_dma semaphore(%run_scoped3A : memref<!tpu.dma_semaphore, #tpu.memory_space<semaphore_mem>>) src(%arg13 : memref<128x128xf32, #tpu.memory_space<vmem>>) dst(%dma_wait3A_112 : memref<10112x128xf32, #tpu.memory_space<vmem_shared>>)
        tpu.yield
      }) : () -> ()
    }
    %scan3A_17 = arith.constant 20 : i32
    %mul3A_18 = arith.constant 80 : i32
    %mul3A_19 = arith.muli %arg1, %mul3A_18 : i32
    %add3A_20 = arith.constant 40 : i32
    %add3A_21 = arith.addi %mul3A_19, %add3A_20 : i32
    "tpu.region"() ({
      %run_scoped3A = tpu.sem_alloc : memref<!tpu.dma_semaphore, #tpu.memory_space<semaphore_mem>>
      %dma_start3A = arith.constant 0 : i32
      %dma_start3A_69 = tpu.memref_slice %arg4[%add3A_21, %dma_start3A] : memref<1280x128xi32, #tpu.memory_space<hbm>> -> memref<40x128xi32, #tpu.memory_space<hbm>>
      %dma_start3A_70 = arith.constant 0 : i32
      %dma_start3A_71 = tpu.memref_slice %arg4[%add3A_21, %dma_start3A_70] : memref<1280x128xi32, #tpu.memory_space<hbm>> -> memref<40x128xi32, #tpu.memory_space<hbm>>
      tpu.enqueue_dma source(%dma_start3A_71 : memref<40x128xi32, #tpu.memory_space<hbm>>) target(%arg10 : memref<40x128xi32, #tpu.memory_space<vmem>>) target_semaphore(%run_scoped3A : memref<!tpu.dma_semaphore, #tpu.memory_space<semaphore_mem>>)
      %dma_wait3A = arith.constant 0 : i32
      %dma_wait3A_72 = tpu.memref_slice %arg4[%add3A_21, %dma_wait3A] : memref<1280x128xi32, #tpu.memory_space<hbm>> -> memref<40x128xi32, #tpu.memory_space<hbm>>
      %dma_wait3A_73 = arith.constant 0 : i32
      %dma_wait3A_74 = tpu.memref_slice %arg4[%add3A_21, %dma_wait3A_73] : memref<1280x128xi32, #tpu.memory_space<hbm>> -> memref<40x128xi32, #tpu.memory_space<hbm>>
      tpu.wait_dma2 semaphore(%run_scoped3A : memref<!tpu.dma_semaphore, #tpu.memory_space<semaphore_mem>>) src(%dma_wait3A_74 : memref<40x128xi32, #tpu.memory_space<hbm>>) dst(%arg10 : memref<40x128xi32, #tpu.memory_space<vmem>>)
      tpu.yield
    }) : () -> ()
    "tpu.region"() ({
      %run_scoped3A = tpu.sem_alloc : memref<!tpu.dma_semaphore, #tpu.memory_space<semaphore_mem>>
      %dma_start3A = arith.constant 0 : i32
      %dma_start3A_69 = tpu.memref_slice %arg5[%add3A_21, %dma_start3A] : memref<1280x128xi32, #tpu.memory_space<hbm>> -> memref<40x128xi32, #tpu.memory_space<hbm>>
      %dma_start3A_70 = arith.constant 0 : i32
      %dma_start3A_71 = tpu.memref_slice %arg5[%add3A_21, %dma_start3A_70] : memref<1280x128xi32, #tpu.memory_space<hbm>> -> memref<40x128xi32, #tpu.memory_space<hbm>>
      tpu.enqueue_dma source(%dma_start3A_71 : memref<40x128xi32, #tpu.memory_space<hbm>>) target(%arg11 : memref<40x128xi32, #tpu.memory_space<vmem>>) target_semaphore(%run_scoped3A : memref<!tpu.dma_semaphore, #tpu.memory_space<semaphore_mem>>)
      %dma_wait3A = arith.constant 0 : i32
      %dma_wait3A_72 = tpu.memref_slice %arg5[%add3A_21, %dma_wait3A] : memref<1280x128xi32, #tpu.memory_space<hbm>> -> memref<40x128xi32, #tpu.memory_space<hbm>>
      %dma_wait3A_73 = arith.constant 0 : i32
      %dma_wait3A_74 = tpu.memref_slice %arg5[%add3A_21, %dma_wait3A_73] : memref<1280x128xi32, #tpu.memory_space<hbm>> -> memref<40x128xi32, #tpu.memory_space<hbm>>
      tpu.wait_dma2 semaphore(%run_scoped3A : memref<!tpu.dma_semaphore, #tpu.memory_space<semaphore_mem>>) src(%dma_wait3A_74 : memref<40x128xi32, #tpu.memory_space<hbm>>) dst(%arg11 : memref<40x128xi32, #tpu.memory_space<vmem>>)
      tpu.yield
    }) : () -> ()
    %eq3A_22 = arith.constant 0 : i32
    %eq3A_23 = arith.cmpi eq, %arg0, %eq3A_22 : i32
    %convert_element_type3A_24 = arith.extui %eq3A_23 : i1 to i32
    %cond3A_25 = arith.constant 0 : i32
    %cond3A_26 = arith.cmpi ne, %convert_element_type3A_24, %cond3A_25 : i32
    scf.if %cond3A_26 {
      %dma_start3A = arith.constant 0 : i32
      %dma_start3A_69 = arith.constant 0 : i32
      %dma_start3A_70 = tpu.memref_slice %arg10[%dma_start3A, %dma_start3A_69] : memref<40x128xi32, #tpu.memory_space<vmem>> -> memref<1x128xi32, #tpu.memory_space<vmem>>
      %dma_start3A_71 = tpu.memref_squeeze %dma_start3A_70 : memref<1x128xi32, #tpu.memory_space<vmem>> -> memref<128xi32, #tpu.memory_space<vmem>>
      %dma_start3A_72 = arith.constant 0 : i32
      %dma_start3A_73 = arith.constant 0 : i32
      %dma_start3A_74 = tpu.memref_slice %arg2[%dma_start3A_72, %dma_start3A_73] : memref<10000x128xf32, #tpu.memory_space<hbm>> -> memref<10000x128xf32, #tpu.memory_space<hbm>>
      tpu.enqueue_indirect_dma source(%dma_start3A_74 : memref<10000x128xf32, #tpu.memory_space<hbm>>) target(%arg12 : memref<128x128xf32, #tpu.memory_space<vmem>>) offsets(%dma_start3A_71 : memref<128xi32, #tpu.memory_space<vmem>>) semaphore(%arg14 : memref<!tpu.dma_semaphore, #tpu.memory_space<semaphore_mem>>)
    } else {
    }
    %eq3A_27 = arith.constant 1 : i32
    %eq3A_28 = arith.cmpi eq, %arg0, %eq3A_27 : i32
    %convert_element_type3A_29 = arith.extui %eq3A_28 : i1 to i32
    %cond3A_30 = arith.constant 0 : i32
    %cond3A_31 = arith.cmpi ne, %convert_element_type3A_29, %cond3A_30 : i32
    scf.if %cond3A_31 {
      %dma_start3A = arith.constant 0 : i32
      %dma_start3A_69 = arith.constant 0 : i32
      %dma_start3A_70 = tpu.memref_slice %arg10[%dma_start3A, %dma_start3A_69] : memref<40x128xi32, #tpu.memory_space<vmem>> -> memref<1x128xi32, #tpu.memory_space<vmem>>
      %dma_start3A_71 = tpu.memref_squeeze %dma_start3A_70 : memref<1x128xi32, #tpu.memory_space<vmem>> -> memref<128xi32, #tpu.memory_space<vmem>>
      %dma_start3A_72 = arith.constant 0 : i32
      %dma_start3A_73 = arith.constant 0 : i32
      %dma_start3A_74 = tpu.memref_slice %arg3[%dma_start3A_72, %dma_start3A_73] : memref<10000x128xf32, #tpu.memory_space<hbm>> -> memref<10000x128xf32, #tpu.memory_space<hbm>>
      tpu.enqueue_indirect_dma source(%dma_start3A_74 : memref<10000x128xf32, #tpu.memory_space<hbm>>) target(%arg12 : memref<128x128xf32, #tpu.memory_space<vmem>>) offsets(%dma_start3A_71 : memref<128xi32, #tpu.memory_space<vmem>>) semaphore(%arg14 : memref<!tpu.dma_semaphore, #tpu.memory_space<semaphore_mem>>)
    } else {
    }
    %scan3A_32 = arith.constant 0 : i32
    %scan3A_33 = arith.constant 0 : i32
    %scan3A_34 = arith.constant 20 : i32
    %scan3A_35 = arith.addi %scan3A_33, %scan3A_34 : i32
    %scan3A_36 = arith.constant 1 : i32
    scf.for %scan3A_69 = %scan3A_33 to %scan3A_35 step %scan3A_36  : i32 {
      %mul3A_70 = arith.constant 2 : i32
      %mul3A_71 = arith.muli %mul3A_70, %scan3A_69 : i32
      %add3A_72 = arith.constant 1 : i32
      %add3A_73 = arith.addi %mul3A_71, %add3A_72 : i32
      %eq3A_74 = arith.constant 0 : i32
      %eq3A_75 = arith.cmpi eq, %arg0, %eq3A_74 : i32
      %convert_element_type3A_76 = arith.extui %eq3A_75 : i1 to i32
      %cond3A_77 = arith.constant 0 : i32
      %cond3A_78 = arith.cmpi ne, %convert_element_type3A_76, %cond3A_77 : i32
      scf.if %cond3A_78 {
        %dma_start3A = arith.constant 0 : i32
        %dma_start3A_102 = tpu.memref_slice %arg10[%add3A_73, %dma_start3A] : memref<40x128xi32, #tpu.memory_space<vmem>> -> memref<1x128xi32, #tpu.memory_space<vmem>>
        %dma_start3A_103 = tpu.memref_squeeze %dma_start3A_102 : memref<1x128xi32, #tpu.memory_space<vmem>> -> memref<128xi32, #tpu.memory_space<vmem>>
        %dma_start3A_104 = arith.constant 0 : i32
        %dma_start3A_105 = arith.constant 0 : i32
        %dma_start3A_106 = tpu.memref_slice %arg2[%dma_start3A_104, %dma_start3A_105] : memref<10000x128xf32, #tpu.memory_space<hbm>> -> memref<10000x128xf32, #tpu.memory_space<hbm>>
        tpu.enqueue_indirect_dma source(%dma_start3A_106 : memref<10000x128xf32, #tpu.memory_space<hbm>>) target(%arg13 : memref<128x128xf32, #tpu.memory_space<vmem>>) offsets(%dma_start3A_103 : memref<128xi32, #tpu.memory_space<vmem>>) semaphore(%arg15 : memref<!tpu.dma_semaphore, #tpu.memory_space<semaphore_mem>>)
      } else {
      }
      %eq3A_79 = arith.constant 1 : i32
      %eq3A_80 = arith.cmpi eq, %arg0, %eq3A_79 : i32
      %convert_element_type3A_81 = arith.extui %eq3A_80 : i1 to i32
      %cond3A_82 = arith.constant 0 : i32
      %cond3A_83 = arith.cmpi ne, %convert_element_type3A_81, %cond3A_82 : i32
      scf.if %cond3A_83 {
        %dma_start3A = arith.constant 0 : i32
        %dma_start3A_102 = tpu.memref_slice %arg10[%add3A_73, %dma_start3A] : memref<40x128xi32, #tpu.memory_space<vmem>> -> memref<1x128xi32, #tpu.memory_space<vmem>>
        %dma_start3A_103 = tpu.memref_squeeze %dma_start3A_102 : memref<1x128xi32, #tpu.memory_space<vmem>> -> memref<128xi32, #tpu.memory_space<vmem>>
        %dma_start3A_104 = arith.constant 0 : i32
        %dma_start3A_105 = arith.constant 0 : i32
        %dma_start3A_106 = tpu.memref_slice %arg3[%dma_start3A_104, %dma_start3A_105] : memref<10000x128xf32, #tpu.memory_space<hbm>> -> memref<10000x128xf32, #tpu.memory_space<hbm>>
        tpu.enqueue_indirect_dma source(%dma_start3A_106 : memref<10000x128xf32, #tpu.memory_space<hbm>>) target(%arg13 : memref<128x128xf32, #tpu.memory_space<vmem>>) offsets(%dma_start3A_103 : memref<128xi32, #tpu.memory_space<vmem>>) semaphore(%arg15 : memref<!tpu.dma_semaphore, #tpu.memory_space<semaphore_mem>>)
      } else {
      }
      %dma_wait3A = arith.constant 0 : i32
      %dma_wait3A_84 = tpu.memref_slice %arg10[%mul3A_71, %dma_wait3A] : memref<40x128xi32, #tpu.memory_space<vmem>> -> memref<1x128xi32, #tpu.memory_space<vmem>>
      %dma_wait3A_85 = tpu.memref_squeeze %dma_wait3A_84 : memref<1x128xi32, #tpu.memory_space<vmem>> -> memref<128xi32, #tpu.memory_space<vmem>>
      %dma_wait3A_86 = arith.constant 0 : i32
      %dma_wait3A_87 = arith.constant 0 : i32
      %dma_wait3A_88 = tpu.memref_slice %arg2[%dma_wait3A_86, %dma_wait3A_87] : memref<10000x128xf32, #tpu.memory_space<hbm>> -> memref<10000x128xf32, #tpu.memory_space<hbm>>
      tpu.wait_indirect_dma semaphore(%arg14 : memref<!tpu.dma_semaphore, #tpu.memory_space<semaphore_mem>>) src(%dma_wait3A_88 : memref<10000x128xf32, #tpu.memory_space<hbm>>) dst(%arg12 : memref<128x128xf32, #tpu.memory_space<vmem>>)
      "tpu.region"() ({
        %run_scoped3A = tpu.sem_alloc : memref<!tpu.dma_semaphore, #tpu.memory_space<semaphore_mem>>
        %dma_start3A = arith.constant 0 : i32
        %dma_start3A_102 = tpu.memref_slice %arg11[%mul3A_71, %dma_start3A] : memref<40x128xi32, #tpu.memory_space<vmem>> -> memref<1x128xi32, #tpu.memory_space<vmem>>
        %dma_start3A_103 = tpu.memref_squeeze %dma_start3A_102 : memref<1x128xi32, #tpu.memory_space<vmem>> -> memref<128xi32, #tpu.memory_space<vmem>>
        %dma_start3A_104 = arith.constant 0 : i32
        %dma_start3A_105 = arith.constant 0 : i32
        %dma_start3A_106 = tpu.memref_slice %arg9[%dma_start3A_104, %dma_start3A_105] : memref<10112x128xf32, #tpu.memory_space<vmem_shared>> -> memref<10112x128xf32, #tpu.memory_space<vmem_shared>>
        tpu.enqueue_indirect_dma source(%arg12 : memref<128x128xf32, #tpu.memory_space<vmem>>) target(%dma_start3A_106 : memref<10112x128xf32, #tpu.memory_space<vmem_shared>>) offsets(%dma_start3A_103 : memref<128xi32, #tpu.memory_space<vmem>>) semaphore(%run_scoped3A : memref<!tpu.dma_semaphore, #tpu.memory_space<semaphore_mem>>) {add = true}
        %dma_wait3A_107 = arith.constant 0 : i32
        %dma_wait3A_108 = tpu.memref_slice %arg11[%mul3A_71, %dma_wait3A_107] : memref<40x128xi32, #tpu.memory_space<vmem>> -> memref<1x128xi32, #tpu.memory_space<vmem>>
        %dma_wait3A_109 = tpu.memref_squeeze %dma_wait3A_108 : memref<1x128xi32, #tpu.memory_space<vmem>> -> memref<128xi32, #tpu.memory_space<vmem>>
        %dma_wait3A_110 = arith.constant 0 : i32
        %dma_wait3A_111 = arith.constant 0 : i32
        %dma_wait3A_112 = tpu.memref_slice %arg9[%dma_wait3A_110, %dma_wait3A_111] : memref<10112x128xf32, #tpu.memory_space<vmem_shared>> -> memref<10112x128xf32, #tpu.memory_space<vmem_shared>>
        tpu.wait_indirect_dma semaphore(%run_scoped3A : memref<!tpu.dma_semaphore, #tpu.memory_space<semaphore_mem>>) src(%arg12 : memref<128x128xf32, #tpu.memory_space<vmem>>) dst(%dma_wait3A_112 : memref<10112x128xf32, #tpu.memory_space<vmem_shared>>)
        tpu.yield
      }) : () -> ()
      %add3A_89 = arith.constant 2 : i32
      %add3A_90 = arith.addi %mul3A_71, %add3A_89 : i32
      %lt3A_91 = arith.constant 40 : i32
      %lt3A_92 = arith.cmpi slt, %add3A_90, %lt3A_91 : i32
      %convert_element_type3A_93 = arith.extui %lt3A_92 : i1 to i32
      %cond3A_94 = arith.constant 0 : i32
      %cond3A_95 = arith.cmpi ne, %convert_element_type3A_93, %cond3A_94 : i32
      scf.if %cond3A_95 {
        %add3A_102 = arith.constant 2 : i32
        %add3A_103 = arith.addi %mul3A_71, %add3A_102 : i32
        %eq3A_104 = arith.constant 0 : i32
        %eq3A_105 = arith.cmpi eq, %arg0, %eq3A_104 : i32
        %convert_element_type3A_106 = arith.extui %eq3A_105 : i1 to i32
        %cond3A_107 = arith.constant 0 : i32
        %cond3A_108 = arith.cmpi ne, %convert_element_type3A_106, %cond3A_107 : i32
        scf.if %cond3A_108 {
          %dma_start3A = arith.constant 0 : i32
          %dma_start3A_114 = tpu.memref_slice %arg10[%add3A_103, %dma_start3A] : memref<40x128xi32, #tpu.memory_space<vmem>> -> memref<1x128xi32, #tpu.memory_space<vmem>>
          %dma_start3A_115 = tpu.memref_squeeze %dma_start3A_114 : memref<1x128xi32, #tpu.memory_space<vmem>> -> memref<128xi32, #tpu.memory_space<vmem>>
          %dma_start3A_116 = arith.constant 0 : i32
          %dma_start3A_117 = arith.constant 0 : i32
          %dma_start3A_118 = tpu.memref_slice %arg2[%dma_start3A_116, %dma_start3A_117] : memref<10000x128xf32, #tpu.memory_space<hbm>> -> memref<10000x128xf32, #tpu.memory_space<hbm>>
          tpu.enqueue_indirect_dma source(%dma_start3A_118 : memref<10000x128xf32, #tpu.memory_space<hbm>>) target(%arg12 : memref<128x128xf32, #tpu.memory_space<vmem>>) offsets(%dma_start3A_115 : memref<128xi32, #tpu.memory_space<vmem>>) semaphore(%arg14 : memref<!tpu.dma_semaphore, #tpu.memory_space<semaphore_mem>>)
        } else {
        }
        %eq3A_109 = arith.constant 1 : i32
        %eq3A_110 = arith.cmpi eq, %arg0, %eq3A_109 : i32
        %convert_element_type3A_111 = arith.extui %eq3A_110 : i1 to i32
        %cond3A_112 = arith.constant 0 : i32
        %cond3A_113 = arith.cmpi ne, %convert_element_type3A_111, %cond3A_112 : i32
        scf.if %cond3A_113 {
          %dma_start3A = arith.constant 0 : i32
          %dma_start3A_114 = tpu.memref_slice %arg10[%add3A_103, %dma_start3A] : memref<40x128xi32, #tpu.memory_space<vmem>> -> memref<1x128xi32, #tpu.memory_space<vmem>>
          %dma_start3A_115 = tpu.memref_squeeze %dma_start3A_114 : memref<1x128xi32, #tpu.memory_space<vmem>> -> memref<128xi32, #tpu.memory_space<vmem>>
          %dma_start3A_116 = arith.constant 0 : i32
          %dma_start3A_117 = arith.constant 0 : i32
          %dma_start3A_118 = tpu.memref_slice %arg3[%dma_start3A_116, %dma_start3A_117] : memref<10000x128xf32, #tpu.memory_space<hbm>> -> memref<10000x128xf32, #tpu.memory_space<hbm>>
          tpu.enqueue_indirect_dma source(%dma_start3A_118 : memref<10000x128xf32, #tpu.memory_space<hbm>>) target(%arg12 : memref<128x128xf32, #tpu.memory_space<vmem>>) offsets(%dma_start3A_115 : memref<128xi32, #tpu.memory_space<vmem>>) semaphore(%arg14 : memref<!tpu.dma_semaphore, #tpu.memory_space<semaphore_mem>>)
        } else {
        }
      } else {
      }
      %dma_wait3A_96 = arith.constant 0 : i32
      %dma_wait3A_97 = tpu.memref_slice %arg10[%add3A_73, %dma_wait3A_96] : memref<40x128xi32, #tpu.memory_space<vmem>> -> memref<1x128xi32, #tpu.memory_space<vmem>>
      %dma_wait3A_98 = tpu.memref_squeeze %dma_wait3A_97 : memref<1x128xi32, #tpu.memory_space<vmem>> -> memref<128xi32, #tpu.memory_space<vmem>>
      %dma_wait3A_99 = arith.constant 0 : i32
      %dma_wait3A_100 = arith.constant 0 : i32
      %dma_wait3A_101 = tpu.memref_slice %arg2[%dma_wait3A_99, %dma_wait3A_100] : memref<10000x128xf32, #tpu.memory_space<hbm>> -> memref<10000x128xf32, #tpu.memory_space<hbm>>
      tpu.wait_indirect_dma semaphore(%arg15 : memref<!tpu.dma_semaphore, #tpu.memory_space<semaphore_mem>>) src(%dma_wait3A_101 : memref<10000x128xf32, #tpu.memory_space<hbm>>) dst(%arg13 : memref<128x128xf32, #tpu.memory_space<vmem>>)
      "tpu.region"() ({
        %run_scoped3A = tpu.sem_alloc : memref<!tpu.dma_semaphore, #tpu.memory_space<semaphore_mem>>
        %dma_start3A = arith.constant 0 : i32
        %dma_start3A_102 = tpu.memref_slice %arg11[%add3A_73, %dma_start3A] : memref<40x128xi32, #tpu.memory_space<vmem>> -> memref<1x128xi32, #tpu.memory_space<vmem>>
        %dma_start3A_103 = tpu.memref_squeeze %dma_start3A_102 : memref<1x128xi32, #tpu.memory_space<vmem>> -> memref<128xi32, #tpu.memory_space<vmem>>
        %dma_start3A_104 = arith.constant 0 : i32
        %dma_start3A_105 = arith.constant 0 : i32
        %dma_start3A_106 = tpu.memref_slice %arg9[%dma_start3A_104, %dma_start3A_105] : memref<10112x128xf32, #tpu.memory_space<vmem_shared>> -> memref<10112x128xf32, #tpu.memory_space<vmem_shared>>
        tpu.enqueue_indirect_dma source(%arg13 : memref<128x128xf32, #tpu.memory_space<vmem>>) target(%dma_start3A_106 : memref<10112x128xf32, #tpu.memory_space<vmem_shared>>) offsets(%dma_start3A_103 : memref<128xi32, #tpu.memory_space<vmem>>) semaphore(%run_scoped3A : memref<!tpu.dma_semaphore, #tpu.memory_space<semaphore_mem>>) {add = true}
        %dma_wait3A_107 = arith.constant 0 : i32
        %dma_wait3A_108 = tpu.memref_slice %arg11[%add3A_73, %dma_wait3A_107] : memref<40x128xi32, #tpu.memory_space<vmem>> -> memref<1x128xi32, #tpu.memory_space<vmem>>
        %dma_wait3A_109 = tpu.memref_squeeze %dma_wait3A_108 : memref<1x128xi32, #tpu.memory_space<vmem>> -> memref<128xi32, #tpu.memory_space<vmem>>
        %dma_wait3A_110 = arith.constant 0 : i32
        %dma_wait3A_111 = arith.constant 0 : i32
        %dma_wait3A_112 = tpu.memref_slice %arg9[%dma_wait3A_110, %dma_wait3A_111] : memref<10112x128xf32, #tpu.memory_space<vmem_shared>> -> memref<10112x128xf32, #tpu.memory_space<vmem_shared>>
        tpu.wait_indirect_dma semaphore(%run_scoped3A : memref<!tpu.dma_semaphore, #tpu.memory_space<semaphore_mem>>) src(%arg13 : memref<128x128xf32, #tpu.memory_space<vmem>>) dst(%dma_wait3A_112 : memref<10112x128xf32, #tpu.memory_space<vmem_shared>>)
        tpu.yield
      }) : () -> ()
    }
    %scan3A_37 = arith.constant 20 : i32
    %barrier3A_38 = arith.constant 0 : index
    tpu.barrier barrier_id(%barrier3A_38)
    %eq3A_39 = arith.constant 0 : i32
    %eq3A_40 = arith.cmpi eq, %arg0, %eq3A_39 : i32
    %lt3A = arith.constant 15 : i32
    %lt3A_41 = arith.cmpi slt, %arg1, %lt3A : i32
    %and3A = arith.andi %eq3A_40, %lt3A_41 : i1
    %convert_element_type3A_42 = arith.extui %and3A : i1 to i32
    %cond3A_43 = arith.constant 0 : i32
    %cond3A_44 = arith.cmpi ne, %convert_element_type3A_42, %cond3A_43 : i32
    scf.if %cond3A_44 {
      %mul3A_69 = arith.constant 632 : i32
      %mul3A_70 = arith.muli %arg1, %mul3A_69 : i32
      %mul3A_71 = arith.constant 632 : i32
      %mul3A_72 = arith.muli %arg1, %mul3A_71 : i32
      "tpu.region"() ({
        %run_scoped3A = tpu.sem_alloc : memref<!tpu.dma_semaphore, #tpu.memory_space<semaphore_mem>>
        %dma_start3A = arith.constant 0 : i32
        %dma_start3A_73 = tpu.memref_slice %arg7[%mul3A_72, %dma_start3A] : memref<10000x128xf32, #tpu.memory_space<hbm>> -> memref<632x128xf32, #tpu.memory_space<hbm>>
        %dma_start3A_74 = arith.constant 0 : i32
        %dma_start3A_75 = tpu.memref_slice %arg9[%mul3A_70, %dma_start3A_74] : memref<10112x128xf32, #tpu.memory_space<vmem_shared>> -> memref<632x128xf32, #tpu.memory_space<vmem_shared>>
        tpu.enqueue_dma source(%dma_start3A_75 : memref<632x128xf32, #tpu.memory_space<vmem_shared>>) target(%dma_start3A_73 : memref<632x128xf32, #tpu.memory_space<hbm>>) target_semaphore(%run_scoped3A : memref<!tpu.dma_semaphore, #tpu.memory_space<semaphore_mem>>)
        %dma_wait3A = arith.constant 0 : i32
        %dma_wait3A_76 = tpu.memref_slice %arg7[%mul3A_72, %dma_wait3A] : memref<10000x128xf32, #tpu.memory_space<hbm>> -> memref<632x128xf32, #tpu.memory_space<hbm>>
        %dma_wait3A_77 = arith.constant 0 : i32
        %dma_wait3A_78 = tpu.memref_slice %arg9[%mul3A_70, %dma_wait3A_77] : memref<10112x128xf32, #tpu.memory_space<vmem_shared>> -> memref<632x128xf32, #tpu.memory_space<vmem_shared>>
        tpu.wait_dma2 semaphore(%run_scoped3A : memref<!tpu.dma_semaphore, #tpu.memory_space<semaphore_mem>>) src(%dma_wait3A_78 : memref<632x128xf32, #tpu.memory_space<vmem_shared>>) dst(%dma_wait3A_76 : memref<632x128xf32, #tpu.memory_space<hbm>>)
        tpu.yield
      }) : () -> ()
    } else {
    }
    %eq3A_45 = arith.constant 0 : i32
    %eq3A_46 = arith.cmpi eq, %arg0, %eq3A_45 : i32
    %eq3A_47 = arith.constant 15 : i32
    %eq3A_48 = arith.cmpi eq, %arg1, %eq3A_47 : i32
    %and3A_49 = arith.andi %eq3A_46, %eq3A_48 : i1
    %convert_element_type3A_50 = arith.extui %and3A_49 : i1 to i32
    %cond3A_51 = arith.constant 0 : i32
    %cond3A_52 = arith.cmpi ne, %convert_element_type3A_50, %cond3A_51 : i32
    scf.if %cond3A_52 {
      "tpu.region"() ({
        %run_scoped3A = tpu.sem_alloc : memref<!tpu.dma_semaphore, #tpu.memory_space<semaphore_mem>>
        %dma_start3A = arith.constant 9480 : i32
        %dma_start3A_69 = arith.constant 0 : i32
        %dma_start3A_70 = tpu.memref_slice %arg7[%dma_start3A, %dma_start3A_69] : memref<10000x128xf32, #tpu.memory_space<hbm>> -> memref<520x128xf32, #tpu.memory_space<hbm>>
        %dma_start3A_71 = arith.constant 9480 : i32
        %dma_start3A_72 = arith.constant 0 : i32
        %dma_start3A_73 = tpu.memref_slice %arg9[%dma_start3A_71, %dma_start3A_72] : memref<10112x128xf32, #tpu.memory_space<vmem_shared>> -> memref<520x128xf32, #tpu.memory_space<vmem_shared>>
        tpu.enqueue_dma source(%dma_start3A_73 : memref<520x128xf32, #tpu.memory_space<vmem_shared>>) target(%dma_start3A_70 : memref<520x128xf32, #tpu.memory_space<hbm>>) target_semaphore(%run_scoped3A : memref<!tpu.dma_semaphore, #tpu.memory_space<semaphore_mem>>)
        %dma_wait3A = arith.constant 9480 : i32
        %dma_wait3A_74 = arith.constant 0 : i32
        %dma_wait3A_75 = tpu.memref_slice %arg7[%dma_wait3A, %dma_wait3A_74] : memref<10000x128xf32, #tpu.memory_space<hbm>> -> memref<520x128xf32, #tpu.memory_space<hbm>>
        %dma_wait3A_76 = arith.constant 9480 : i32
        %dma_wait3A_77 = arith.constant 0 : i32
        %dma_wait3A_78 = tpu.memref_slice %arg9[%dma_wait3A_76, %dma_wait3A_77] : memref<10112x128xf32, #tpu.memory_space<vmem_shared>> -> memref<520x128xf32, #tpu.memory_space<vmem_shared>>
        tpu.wait_dma2 semaphore(%run_scoped3A : memref<!tpu.dma_semaphore, #tpu.memory_space<semaphore_mem>>) src(%dma_wait3A_78 : memref<520x128xf32, #tpu.memory_space<vmem_shared>>) dst(%dma_wait3A_75 : memref<520x128xf32, #tpu.memory_space<hbm>>)
        tpu.yield
      }) : () -> ()
    } else {
    }
    %eq3A_53 = arith.constant 1 : i32
    %eq3A_54 = arith.cmpi eq, %arg0, %eq3A_53 : i32
    %lt3A_55 = arith.constant 15 : i32
    %lt3A_56 = arith.cmpi slt, %arg1, %lt3A_55 : i32
    %and3A_57 = arith.andi %eq3A_54, %lt3A_56 : i1
    %convert_element_type3A_58 = arith.extui %and3A_57 : i1 to i32
    %cond3A_59 = arith.constant 0 : i32
    %cond3A_60 = arith.cmpi ne, %convert_element_type3A_58, %cond3A_59 : i32
    scf.if %cond3A_60 {
      %mul3A_69 = arith.constant 632 : i32
      %mul3A_70 = arith.muli %arg1, %mul3A_69 : i32
      %mul3A_71 = arith.constant 632 : i32
      %mul3A_72 = arith.muli %arg1, %mul3A_71 : i32
      "tpu.region"() ({
        %run_scoped3A = tpu.sem_alloc : memref<!tpu.dma_semaphore, #tpu.memory_space<semaphore_mem>>
        %dma_start3A = arith.constant 0 : i32
        %dma_start3A_73 = tpu.memref_slice %arg8[%mul3A_72, %dma_start3A] : memref<10000x128xf32, #tpu.memory_space<hbm>> -> memref<632x128xf32, #tpu.memory_space<hbm>>
        %dma_start3A_74 = arith.constant 0 : i32
        %dma_start3A_75 = tpu.memref_slice %arg9[%mul3A_70, %dma_start3A_74] : memref<10112x128xf32, #tpu.memory_space<vmem_shared>> -> memref<632x128xf32, #tpu.memory_space<vmem_shared>>
        tpu.enqueue_dma source(%dma_start3A_75 : memref<632x128xf32, #tpu.memory_space<vmem_shared>>) target(%dma_start3A_73 : memref<632x128xf32, #tpu.memory_space<hbm>>) target_semaphore(%run_scoped3A : memref<!tpu.dma_semaphore, #tpu.memory_space<semaphore_mem>>)
        %dma_wait3A = arith.constant 0 : i32
        %dma_wait3A_76 = tpu.memref_slice %arg8[%mul3A_72, %dma_wait3A] : memref<10000x128xf32, #tpu.memory_space<hbm>> -> memref<632x128xf32, #tpu.memory_space<hbm>>
        %dma_wait3A_77 = arith.constant 0 : i32
        %dma_wait3A_78 = tpu.memref_slice %arg9[%mul3A_70, %dma_wait3A_77] : memref<10112x128xf32, #tpu.memory_space<vmem_shared>> -> memref<632x128xf32, #tpu.memory_space<vmem_shared>>
        tpu.wait_dma2 semaphore(%run_scoped3A : memref<!tpu.dma_semaphore, #tpu.memory_space<semaphore_mem>>) src(%dma_wait3A_78 : memref<632x128xf32, #tpu.memory_space<vmem_shared>>) dst(%dma_wait3A_76 : memref<632x128xf32, #tpu.memory_space<hbm>>)
        tpu.yield
      }) : () -> ()
    } else {
    }
    %eq3A_61 = arith.constant 1 : i32
    %eq3A_62 = arith.cmpi eq, %arg0, %eq3A_61 : i32
    %eq3A_63 = arith.constant 15 : i32
    %eq3A_64 = arith.cmpi eq, %arg1, %eq3A_63 : i32
    %and3A_65 = arith.andi %eq3A_62, %eq3A_64 : i1
    %convert_element_type3A_66 = arith.extui %and3A_65 : i1 to i32
    %cond3A_67 = arith.constant 0 : i32
    %cond3A_68 = arith.cmpi ne, %convert_element_type3A_66, %cond3A_67 : i32
    scf.if %cond3A_68 {
      "tpu.region"() ({
        %run_scoped3A = tpu.sem_alloc : memref<!tpu.dma_semaphore, #tpu.memory_space<semaphore_mem>>
        %dma_start3A = arith.constant 9480 : i32
        %dma_start3A_69 = arith.constant 0 : i32
        %dma_start3A_70 = tpu.memref_slice %arg8[%dma_start3A, %dma_start3A_69] : memref<10000x128xf32, #tpu.memory_space<hbm>> -> memref<520x128xf32, #tpu.memory_space<hbm>>
        %dma_start3A_71 = arith.constant 9480 : i32
        %dma_start3A_72 = arith.constant 0 : i32
        %dma_start3A_73 = tpu.memref_slice %arg9[%dma_start3A_71, %dma_start3A_72] : memref<10112x128xf32, #tpu.memory_space<vmem_shared>> -> memref<520x128xf32, #tpu.memory_space<vmem_shared>>
        tpu.enqueue_dma source(%dma_start3A_73 : memref<520x128xf32, #tpu.memory_space<vmem_shared>>) target(%dma_start3A_70 : memref<520x128xf32, #tpu.memory_space<hbm>>) target_semaphore(%run_scoped3A : memref<!tpu.dma_semaphore, #tpu.memory_space<semaphore_mem>>)
        %dma_wait3A = arith.constant 9480 : i32
        %dma_wait3A_74 = arith.constant 0 : i32
        %dma_wait3A_75 = tpu.memref_slice %arg8[%dma_wait3A, %dma_wait3A_74] : memref<10000x128xf32, #tpu.memory_space<hbm>> -> memref<520x128xf32, #tpu.memory_space<hbm>>
        %dma_wait3A_76 = arith.constant 9480 : i32
        %dma_wait3A_77 = arith.constant 0 : i32
        %dma_wait3A_78 = tpu.memref_slice %arg9[%dma_wait3A_76, %dma_wait3A_77] : memref<10112x128xf32, #tpu.memory_space<vmem_shared>> -> memref<520x128xf32, #tpu.memory_space<vmem_shared>>
        tpu.wait_dma2 semaphore(%run_scoped3A : memref<!tpu.dma_semaphore, #tpu.memory_space<semaphore_mem>>) src(%dma_wait3A_78 : memref<520x128xf32, #tpu.memory_space<vmem_shared>>) dst(%dma_wait3A_75 : memref<520x128xf32, #tpu.memory_space<hbm>>)
        tpu.yield
      }) : () -> ()
    } else {
    }
    return
  }
}

module attributes {stable_mosaic.version = 14 : i64} {
  func.func @_mm_rel_body(%arg0: i32, %arg1: memref<1000x128xf32, #tpu.memory_space<vmem>>, %arg2: memref<1000x128xf32, #tpu.memory_space<vmem>>, %arg3: memref<256x256xf32, #tpu.memory_space<vmem>>, %arg4: memref<1000x256xf32, #tpu.memory_space<vmem>>, %arg5: memref<1000x128xf32, #tpu.memory_space<vmem>>, %arg6: memref<1000x128xf32, #tpu.memory_space<vmem>>) attributes {dimension_semantics = [#tpu.dimension_semantics<arbitrary>], iteration_bounds = array<i64: 10>, scalar_prefetch = 0 : i64, scratch_operands = 0 : i64, tpu.core_type = #tpu.core_type<tc>, window_params = [{transform_indices = @transform_0, window_bounds = array<i64: 1000, 128>}, {transform_indices = @transform_1, window_bounds = array<i64: 1000, 128>}, {pipeline_mode = #tpu.pipeline_mode<synchronous>, transform_indices = @transform_2, window_bounds = array<i64: 256, 256>}, {transform_indices = @transform_3, window_bounds = array<i64: 1000, 256>}, {transform_indices = @transform_4, window_bounds = array<i64: 1000, 128>}, {transform_indices = @transform_5, window_bounds = array<i64: 1000, 128>}]} {
    %get3A = arith.constant 0 : index
    %get3A_0 = arith.constant 0 : index
    %get3A_1 = vector.load %arg1[%get3A, %get3A_0] : memref<1000x128xf32, #tpu.memory_space<vmem>>, vector<1000x128xf32>
    %get3A_2 = arith.constant 0 : index
    %get3A_3 = arith.constant 0 : index
    %get3A_4 = vector.load %arg3[%get3A_2, %get3A_3] : memref<256x256xf32, #tpu.memory_space<vmem>>, vector<128x256xf32>
    %dot_general3A = arith.constant dense<0.000000e+00> : vector<1000x256xf32>
    %dot_general3A_5 = tpu.matmul %get3A_1, %get3A_4, %dot_general3A {dimension_numbers = #tpu.dot_dimension_numbers<[1], [0], [0], [1], [0, 0, 1, 1], [], []>, transpose_lhs_hint = false} : vector<1000x128xf32>, vector<128x256xf32>, vector<1000x256xf32> -> vector<1000x256xf32>
    %get3A_6 = arith.constant 0 : index
    %get3A_7 = arith.constant 0 : index
    %get3A_8 = vector.load %arg2[%get3A_6, %get3A_7] : memref<1000x128xf32, #tpu.memory_space<vmem>>, vector<1000x128xf32>
    %get3A_9 = arith.constant 128 : index
    %get3A_10 = arith.constant 0 : index
    %get3A_11 = vector.load %arg3[%get3A_9, %get3A_10] : memref<256x256xf32, #tpu.memory_space<vmem>>, vector<128x256xf32>
    %dot_general3A_12 = arith.constant dense<0.000000e+00> : vector<1000x256xf32>
    %dot_general3A_13 = tpu.matmul %get3A_8, %get3A_11, %dot_general3A_12 {dimension_numbers = #tpu.dot_dimension_numbers<[1], [0], [0], [1], [0, 0, 1, 1], [], []>, transpose_lhs_hint = false} : vector<1000x128xf32>, vector<128x256xf32>, vector<1000x256xf32> -> vector<1000x256xf32>
    %add3A = arith.addf %dot_general3A_5, %dot_general3A_13 : vector<1000x256xf32>
    %get3A_14 = arith.constant 0 : index
    %get3A_15 = arith.constant 0 : index
    %get3A_16 = vector.load %arg4[%get3A_14, %get3A_15] : memref<1000x256xf32, #tpu.memory_space<vmem>>, vector<1000x256xf32>
    %add3A_17 = arith.addf %add3A, %get3A_16 : vector<1000x256xf32>
    %max3A = arith.constant 0.000000e+00 : f32
    %max3A_18 = vector.broadcast %max3A : f32 to vector<1000x256xf32>
    %max3A_19 = arith.maximumf %add3A_17, %max3A_18 : vector<1000x256xf32>
    %slice3A = vector.extract_strided_slice %max3A_19 {offsets = [0, 0], sizes = [1000, 128], strides = [1, 1]} : vector<1000x256xf32> to vector<1000x128xf32>
    %swap3A = arith.constant 0 : index
    %swap3A_20 = arith.constant 0 : index
    %swap3A_21 = vector.load %arg5[%swap3A, %swap3A_20] : memref<1000x128xf32, #tpu.memory_space<vmem>>, vector<1000x128xf32>
    tpu.vector_store %arg5[%swap3A, %swap3A_20], %slice3A {strides = array<i32>} : memref<1000x128xf32, #tpu.memory_space<vmem>>, vector<1000x128xf32>,
    %slice3A_22 = vector.extract_strided_slice %max3A_19 {offsets = [0, 128], sizes = [1000, 128], strides = [1, 1]} : vector<1000x256xf32> to vector<1000x128xf32>
    %swap3A_23 = arith.constant 0 : index
    %swap3A_24 = arith.constant 0 : index
    %swap3A_25 = vector.load %arg6[%swap3A_23, %swap3A_24] : memref<1000x128xf32, #tpu.memory_space<vmem>>, vector<1000x128xf32>
    tpu.vector_store %arg6[%swap3A_23, %swap3A_24], %slice3A_22 {strides = array<i32>} : memref<1000x128xf32, #tpu.memory_space<vmem>>, vector<1000x128xf32>,
    return
  }
  func.func @transform_0(%arg0: i32) -> (i32, i32) {
    %c0_i32 = arith.constant 0 : i32
    %c0_i32_0 = arith.constant 0 : i32
    return %arg0, %c0_i32 : i32, i32
  }
  func.func @transform_1(%arg0: i32) -> (i32, i32) {
    %c0_i32 = arith.constant 0 : i32
    %c0_i32_0 = arith.constant 0 : i32
    return %arg0, %c0_i32 : i32, i32
  }
  func.func @transform_2(%arg0: i32) -> (i32, i32) {
    %c0_i32 = arith.constant 0 : i32
    %c0_i32_0 = arith.constant 0 : i32
    %c0_i32_1 = arith.constant 0 : i32
    return %c0_i32, %c0_i32_0 : i32, i32
  }
  func.func @transform_3(%arg0: i32) -> (i32, i32) {
    %c0_i32 = arith.constant 0 : i32
    %c0_i32_0 = arith.constant 0 : i32
    return %arg0, %c0_i32 : i32, i32
  }
  func.func @transform_4(%arg0: i32) -> (i32, i32) {
    %c0_i32 = arith.constant 0 : i32
    %c0_i32_0 = arith.constant 0 : i32
    return %arg0, %c0_i32 : i32, i32
  }
  func.func @transform_5(%arg0: i32) -> (i32, i32) {
    %c0_i32 = arith.constant 0 : i32
    %c0_i32_0 = arith.constant 0 : i32
    return %arg0, %c0_i32 : i32, i32
  }
}

module attributes {stable_mosaic.version = 14 : i64} {
  func.func @_mm_root_body(%arg0: i32, %arg1: memref<1000x128xf32, #tpu.memory_space<vmem>>, %arg2: memref<1000x128xf32, #tpu.memory_space<vmem>>, %arg3: memref<256x256xf32, #tpu.memory_space<vmem>>, %arg4: memref<1x256xf32, #tpu.memory_space<vmem>>, %arg5: memref<1000x256xf32, #tpu.memory_space<vmem>>) attributes {dimension_semantics = [#tpu.dimension_semantics<arbitrary>], iteration_bounds = array<i64: 10>, scalar_prefetch = 0 : i64, scratch_operands = 0 : i64, tpu.core_type = #tpu.core_type<tc>, window_params = [{transform_indices = @transform_0, window_bounds = array<i64: 1000, 128>}, {transform_indices = @transform_1, window_bounds = array<i64: 1000, 128>}, {pipeline_mode = #tpu.pipeline_mode<synchronous>, transform_indices = @transform_2, window_bounds = array<i64: 256, 256>}, {pipeline_mode = #tpu.pipeline_mode<synchronous>, transform_indices = @transform_3, window_bounds = array<i64: 1, 256>}, {transform_indices = @transform_4, window_bounds = array<i64: 1000, 256>}]} {
    %get3A = arith.constant 0 : index
    %get3A_0 = arith.constant 0 : index
    %get3A_1 = vector.load %arg1[%get3A, %get3A_0] : memref<1000x128xf32, #tpu.memory_space<vmem>>, vector<1000x128xf32>
    %get3A_2 = arith.constant 0 : index
    %get3A_3 = arith.constant 0 : index
    %get3A_4 = vector.load %arg3[%get3A_2, %get3A_3] : memref<256x256xf32, #tpu.memory_space<vmem>>, vector<128x256xf32>
    %dot_general3A = arith.constant dense<0.000000e+00> : vector<1000x256xf32>
    %dot_general3A_5 = tpu.matmul %get3A_1, %get3A_4, %dot_general3A {dimension_numbers = #tpu.dot_dimension_numbers<[1], [0], [0], [1], [0, 0, 1, 1], [], []>, transpose_lhs_hint = false} : vector<1000x128xf32>, vector<128x256xf32>, vector<1000x256xf32> -> vector<1000x256xf32>
    %get3A_6 = arith.constant 0 : index
    %get3A_7 = arith.constant 0 : index
    %get3A_8 = vector.load %arg2[%get3A_6, %get3A_7] : memref<1000x128xf32, #tpu.memory_space<vmem>>, vector<1000x128xf32>
    %get3A_9 = arith.constant 128 : index
    %get3A_10 = arith.constant 0 : index
    %get3A_11 = vector.load %arg3[%get3A_9, %get3A_10] : memref<256x256xf32, #tpu.memory_space<vmem>>, vector<128x256xf32>
    %dot_general3A_12 = arith.constant dense<0.000000e+00> : vector<1000x256xf32>
    %dot_general3A_13 = tpu.matmul %get3A_8, %get3A_11, %dot_general3A_12 {dimension_numbers = #tpu.dot_dimension_numbers<[1], [0], [0], [1], [0, 0, 1, 1], [], []>, transpose_lhs_hint = false} : vector<1000x128xf32>, vector<128x256xf32>, vector<1000x256xf32> -> vector<1000x256xf32>
    %add3A = arith.addf %dot_general3A_5, %dot_general3A_13 : vector<1000x256xf32>
    %get3A_14 = arith.constant 0 : index
    %get3A_15 = arith.constant 0 : index
    %get3A_16 = vector.load %arg4[%get3A_14, %get3A_15] : memref<1x256xf32, #tpu.memory_space<vmem>>, vector<1x256xf32>
    %add3A_17 = vector.broadcast %get3A_16 : vector<1x256xf32> to vector<1000x256xf32>
    %add3A_18 = arith.addf %add3A, %add3A_17 : vector<1000x256xf32>
    %swap3A = arith.constant 0 : index
    %swap3A_19 = arith.constant 0 : index
    %swap3A_20 = vector.load %arg5[%swap3A, %swap3A_19] : memref<1000x256xf32, #tpu.memory_space<vmem>>, vector<1000x256xf32>
    tpu.vector_store %arg5[%swap3A, %swap3A_19], %add3A_18 {strides = array<i32>} : memref<1000x256xf32, #tpu.memory_space<vmem>>, vector<1000x256xf32>,
    return
  }
  func.func @transform_0(%arg0: i32) -> (i32, i32) {
    %c0_i32 = arith.constant 0 : i32
    %c0_i32_0 = arith.constant 0 : i32
    return %arg0, %c0_i32 : i32, i32
  }
  func.func @transform_1(%arg0: i32) -> (i32, i32) {
    %c0_i32 = arith.constant 0 : i32
    %c0_i32_0 = arith.constant 0 : i32
    return %arg0, %c0_i32 : i32, i32
  }
  func.func @transform_2(%arg0: i32) -> (i32, i32) {
    %c0_i32 = arith.constant 0 : i32
    %c0_i32_0 = arith.constant 0 : i32
    %c0_i32_1 = arith.constant 0 : i32
    return %c0_i32, %c0_i32_0 : i32, i32
  }
  func.func @transform_3(%arg0: i32) -> (i32, i32) {
    %c0_i32 = arith.constant 0 : i32
    %c0_i32_0 = arith.constant 0 : i32
    %c0_i32_1 = arith.constant 0 : i32
    return %c0_i32, %c0_i32_0 : i32, i32
  }
  func.func @transform_4(%arg0: i32) -> (i32, i32) {
    %c0_i32 = arith.constant 0 : i32
    %c0_i32_0 = arith.constant 0 : i32
    return %arg0, %c0_i32 : i32, i32
  }
}

module attributes {stable_mosaic.version = 14 : i64} {
  func.func @_mm_rel_body(%arg0: i32, %arg1: memref<1000x128xf32, #tpu.memory_space<vmem>>, %arg2: memref<1000x128xf32, #tpu.memory_space<vmem>>, %arg3: memref<256x256xf32, #tpu.memory_space<vmem>>, %arg4: memref<1000x256xf32, #tpu.memory_space<vmem>>, %arg5: memref<1000x256xf32, #tpu.memory_space<vmem>>) attributes {dimension_semantics = [#tpu.dimension_semantics<arbitrary>], iteration_bounds = array<i64: 10>, scalar_prefetch = 0 : i64, scratch_operands = 0 : i64, tpu.core_type = #tpu.core_type<tc>, window_params = [{transform_indices = @transform_0, window_bounds = array<i64: 1000, 128>}, {transform_indices = @transform_1, window_bounds = array<i64: 1000, 128>}, {pipeline_mode = #tpu.pipeline_mode<synchronous>, transform_indices = @transform_2, window_bounds = array<i64: 256, 256>}, {transform_indices = @transform_3, window_bounds = array<i64: 1000, 256>}, {transform_indices = @transform_4, window_bounds = array<i64: 1000, 256>}]} {
    %get3A = arith.constant 0 : index
    %get3A_0 = arith.constant 0 : index
    %get3A_1 = vector.load %arg1[%get3A, %get3A_0] : memref<1000x128xf32, #tpu.memory_space<vmem>>, vector<1000x128xf32>
    %get3A_2 = arith.constant 0 : index
    %get3A_3 = arith.constant 0 : index
    %get3A_4 = vector.load %arg3[%get3A_2, %get3A_3] : memref<256x256xf32, #tpu.memory_space<vmem>>, vector<128x256xf32>
    %dot_general3A = arith.constant dense<0.000000e+00> : vector<1000x256xf32>
    %dot_general3A_5 = tpu.matmul %get3A_1, %get3A_4, %dot_general3A {dimension_numbers = #tpu.dot_dimension_numbers<[1], [0], [0], [1], [0, 0, 1, 1], [], []>, transpose_lhs_hint = false} : vector<1000x128xf32>, vector<128x256xf32>, vector<1000x256xf32> -> vector<1000x256xf32>
    %get3A_6 = arith.constant 0 : index
    %get3A_7 = arith.constant 0 : index
    %get3A_8 = vector.load %arg2[%get3A_6, %get3A_7] : memref<1000x128xf32, #tpu.memory_space<vmem>>, vector<1000x128xf32>
    %get3A_9 = arith.constant 128 : index
    %get3A_10 = arith.constant 0 : index
    %get3A_11 = vector.load %arg3[%get3A_9, %get3A_10] : memref<256x256xf32, #tpu.memory_space<vmem>>, vector<128x256xf32>
    %dot_general3A_12 = arith.constant dense<0.000000e+00> : vector<1000x256xf32>
    %dot_general3A_13 = tpu.matmul %get3A_8, %get3A_11, %dot_general3A_12 {dimension_numbers = #tpu.dot_dimension_numbers<[1], [0], [0], [1], [0, 0, 1, 1], [], []>, transpose_lhs_hint = false} : vector<1000x128xf32>, vector<128x256xf32>, vector<1000x256xf32> -> vector<1000x256xf32>
    %add3A = arith.addf %dot_general3A_5, %dot_general3A_13 : vector<1000x256xf32>
    %get3A_14 = arith.constant 0 : index
    %get3A_15 = arith.constant 0 : index
    %get3A_16 = vector.load %arg4[%get3A_14, %get3A_15] : memref<1000x256xf32, #tpu.memory_space<vmem>>, vector<1000x256xf32>
    %add3A_17 = arith.addf %add3A, %get3A_16 : vector<1000x256xf32>
    %swap3A = arith.constant 0 : index
    %swap3A_18 = arith.constant 0 : index
    %swap3A_19 = vector.load %arg5[%swap3A, %swap3A_18] : memref<1000x256xf32, #tpu.memory_space<vmem>>, vector<1000x256xf32>
    tpu.vector_store %arg5[%swap3A, %swap3A_18], %add3A_17 {strides = array<i32>} : memref<1000x256xf32, #tpu.memory_space<vmem>>, vector<1000x256xf32>,
    return
  }
  func.func @transform_0(%arg0: i32) -> (i32, i32) {
    %c0_i32 = arith.constant 0 : i32
    %c0_i32_0 = arith.constant 0 : i32
    return %arg0, %c0_i32 : i32, i32
  }
  func.func @transform_1(%arg0: i32) -> (i32, i32) {
    %c0_i32 = arith.constant 0 : i32
    %c0_i32_0 = arith.constant 0 : i32
    return %arg0, %c0_i32 : i32, i32
  }
  func.func @transform_2(%arg0: i32) -> (i32, i32) {
    %c0_i32 = arith.constant 0 : i32
    %c0_i32_0 = arith.constant 0 : i32
    %c0_i32_1 = arith.constant 0 : i32
    return %c0_i32, %c0_i32_0 : i32, i32
  }
  func.func @transform_3(%arg0: i32) -> (i32, i32) {
    %c0_i32 = arith.constant 0 : i32
    %c0_i32_0 = arith.constant 0 : i32
    return %arg0, %c0_i32 : i32, i32
  }
  func.func @transform_4(%arg0: i32) -> (i32, i32) {
    %c0_i32 = arith.constant 0 : i32
    %c0_i32_0 = arith.constant 0 : i32
    return %arg0, %c0_i32 : i32, i32
  }
}

</mosaic_0001>

<sc_bundles>
// kernel: kernel.11.cloned.1.call-start
scs
__scs_entry_jumppad:
0x0: {  	(pc) =	sbr.rel $0x88, $3  }
0x1: {  	(tag) =	ssettag $0x0;
	lr =	simm.s32 $0x1  }
0x2: {  	[smem:$0x3F99] =	sst lr;
	_ =	strace $0xD0000000  }
0x3: {  	_ = 	snop  }
0x4: {  	_ = 	snop  }
0x5: {  	_ = 	snop  }
0x6: {  	_ = 	snop  }
0x7: {  	_ = 	snop  }
__scs_overlays_trampoline_lowered:
0x8: {  	[smem:$0x3FA8] =	sst s0  }
0x9: {  	[smem:$0x3FA9] =	sst s1  }
0xa: {  	[smem:$0x3FAA] =	sst s2  }
0xb: {  	[smem:$0x3FAB] =	sst s3  }
0xc: {  	[smem:$0x3FAC] =	sst s4  }
0xd: {  	[smem:$0x3FAD] =	sst s5  }
0xe: {  	[smem:$0x3FAE] =	sst s6  }
0xf: {  	[smem:$0x3FAF] =	sst s7  }
0x10: {  	[smem:$0x3FB0] =	sst s8  }
0x11: {  	[smem:$0x3FB1] =	sst s9;
	s0 =	simm.s32 @!p0 $0x0  }
0x12: {  	s1 =	sld [smem:$0x3F97];
	s0 =	simm.s32 @p0 $0x1  }
0x13: {  	[smem:$0x3FB2] =	sst s0;
	s0 =	simm.s32 @!p1 $0x0  }
0x14: {  	s2 =	sld [smem:$0x3F96];
	s0 =	simm.s32 @p1 $0x1  }
0x15: {  	[smem:$0x3FB3] =	sst s0;
	s0 =	simm.s32 @!p2 $0x0  }
0x16: {  	s3 =	sld [smem:$0x3FDB];
	s0 =	simm.s32 @p2 $0x1  }
0x17: {  	s4 =	simm.s32 $0x1BF5;
	[smem:$0x3FB5] =	sst s0  }
0x18: {  	s0 =	sld [smem:$0x3F98];
	_ =	swait.ge [sflag:s4], $0x0  }
0x19: {  	s7 =	sld [smem:$0x3F99]  }
0x1a: {  	s8 =	sadd.s32 $0xFFFFE003, lr  }
0x1b: {  	s9 =	sadd.s32 $0xFFFFFEF7, lr;
	s5 =	simm.s32 $0xFFFFFFFF;
	p2 =	slt.u32 s8, $0xFFFFF086  }
0x1c: {  	p1 =	slt.u32 s9, $0xF7A;
	s5 =	simm.s32 @!p2 $0x0  }
0x1d: {  	s5 =	simm.s32 @p1 $0x1;
	p0 =	seq.s32 s7, s2  }
0x1e: {  	s7 =	smul.u32 @!p0 $0xF7A, s2;
	p2 =	seq.s32 @!p0 s5, $0x0  }
0x1f: {  	s9 =	smul.u32 $0xF7A, s1;
	s8 =	simm.s32 @!p0 $0x1BF5;
	p2 =	por !p2, p0  }
0x20: {  	[sflag:s8] =	ssyncset.s32 @!p0 $0xFFFFF086;
	s6 =	sadd.s32 @!p0 s3, s7;
	s7 =	simm.s32 @!p0 $0x108  }
0x21: {  	s3 =	sadd.s32 s3, s9;
	s6 =	sadd.s32 @!p0 $0x88, s6;
	s7 =	simm.s32 @p2 $0x1082  }
0x22: {  	[simem:s7], [sflag:s8] =	dma.local @!p0 [hbm:s6], $0xF7A  }
0x23: {  	s9 =	sor.u32 $0xD0000000, s2;
	s6 =	simm.s32 $0x108;
	_ =	swait.ge @!p0 [sflag:s8], $0x0  }
0x24: {  	s3 =	sadd.s32 $0x88, s3;
	s6 =	simm.s32 @!p1 $0x1082;
	[sflag:s4] =	ssyncset.s32 $0xFFFFF086  }
0x25: {  	[simem:s6], [sflag:s4] =	dma.local [hbm:s3], $0xF7A  }
0x26: {  	[smem:$0x3F99] =	sst s1;
	(tag) =	ssettag s2;
	_ =	strace s9  }
0x27: {  	s1 =	sld [smem:$0x3FA9]  }
0x28: {  	s2 =	sld [smem:$0x3FAA]  }
0x29: {  	s4 =	sld [smem:$0x3FAC]  }
0x2a: {  	p0 =	seq.s32 s5, $0x0;
	s5 =	sld [smem:$0x3FAD]  }
0x2b: {  	s6 =	sld [smem:$0x3FAE]  }
0x2c: {  	s7 =	sld [smem:$0x3FAF]  }
0x2d: {  	s3 =	simm.s32 $0x108;
	s8 =	sld [smem:$0x3FB0]  }
0x2e: {  	s3 =	simm.s32 @!p0 $0x1082;
	s9 =	sld [smem:$0x3FB1]  }
0x2f: {  	lr =	sadd.s32 s0, s3;
	s0 =	sld [smem:$0x3FA8]  }
0x30: {  	s3 =	sld [smem:$0x3FAB]  }
0x31: {  	[smem:$0x3FB4] =	sst s10  }
0x32: {  	s10 =	sld [smem:$0x3FB2];
	_ =	sdelay $0x3  }
0x33: {  	p0 =	seq.s32 s10, $0x1;
	s10 =	sld [smem:$0x3FB4];
	_ =	sdelay $0x3  }
0x34: {  	[smem:$0x3FB4] =	sst s10  }
0x35: {  	s10 =	sld [smem:$0x3FB3];
	_ =	sdelay $0x3  }
0x36: {  	p1 =	seq.s32 s10, $0x1;
	s10 =	sld [smem:$0x3FB4];
	_ =	sdelay $0x3  }
0x37: {  	[smem:$0x3FB4] =	sst s10  }
0x38: {  	s10 =	sld [smem:$0x3FB5]  }
0x39: {  	_ = 	snop;
	(pc) =	sbr.ind lr, $3  }
0x3a: {  	_ = 	snop  }
0x3b: {  	_ = 	snop  }
0x3c: {  	p2 =	seq.s32 s10, $0x1;
	s10 =	sld [smem:$0x3FB4]  }
0x3d: {  	_ =	shalt  }
0x3e: {  	_ =	shalt  }
0x3f: {  	_ =	shalt  }
0x40: {  	_ =	shalt  }
0x41: {  	_ =	shalt  }
0x42: {  	_ =	shalt  }
0x43: {  	_ =	shalt  }
0x44: {  	_ =	shalt  }
0x45: {  	_ =	shalt  }
0x46: {  	_ =	shalt  }
0x47: {  	_ =	shalt  }
0x48: {  	_ =	shalt  }
0x49: {  	_ =	shalt  }
0x4a: {  	_ =	shalt  }
0x4b: {  	_ =	shalt  }
0x4c: {  	_ =	shalt  }
0x4d: {  	_ =	shalt  }
0x4e: {  	_ =	shalt  }
0x4f: {  	_ =	shalt  }
0x50: {  	_ =	shalt  }
0x51: {  	_ =	shalt  }
0x52: {  	_ =	shalt  }
0x53: {  	_ =	shalt  }
0x54: {  	_ =	shalt  }
0x55: {  	_ =	shalt  }
0x56: {  	_ =	shalt  }
0x57: {  	_ =	shalt  }
0x58: {  	_ =	shalt  }
0x59: {  	_ =	shalt  }
0x5a: {  	_ =	shalt  }
0x5b: {  	_ =	shalt  }
0x5c: {  	_ =	shalt  }
0x5d: {  	_ =	shalt  }
0x5e: {  	_ =	shalt  }
0x5f: {  	_ =	shalt  }
0x60: {  	_ =	shalt  }
0x61: {  	_ =	shalt  }
0x62: {  	_ =	shalt  }
0x63: {  	_ =	shalt  }
0x64: {  	_ =	shalt  }
0x65: {  	_ =	shalt  }
0x66: {  	_ =	shalt  }
0x67: {  	_ =	shalt  }
0x68: {  	_ =	shalt  }
0x69: {  	_ =	shalt  }
0x6a: {  	_ =	shalt  }
0x6b: {  	_ =	shalt  }
0x6c: {  	_ =	shalt  }
0x6d: {  	_ =	shalt  }
0x6e: {  	_ =	shalt  }
0x6f: {  	_ =	shalt  }
0x70: {  	_ =	shalt  }
0x71: {  	_ =	shalt  }
0x72: {  	_ =	shalt  }
0x73: {  	_ =	shalt  }
0x74: {  	_ =	shalt  }
0x75: {  	_ =	shalt  }
0x76: {  	_ =	shalt  }
0x77: {  	_ =	shalt  }
0x78: {  	_ =	shalt  }
0x79: {  	_ =	shalt  }
0x7a: {  	_ =	shalt  }
0x7b: {  	_ =	shalt  }
0x7c: {  	_ =	shalt  }
0x7d: {  	_ =	shalt  }
0x7e: {  	_ =	shalt  }
0x7f: {  	_ =	shalt  }
0x80: {  	_ =	shalt  }
0x81: {  	_ =	shalt  }
0x82: {  	_ =	shalt  }
0x83: {  	_ =	shalt  }
0x84: {  	_ =	shalt  }
0x85: {  	_ =	shalt  }
0x86: {  	_ =	shalt  }
0x87: {  	_ =	shalt  }
.Lfunc_end0:
.L_simem_size_0:
called_computation.1_lowered:
.L_overlay_start_0:
0x88: {  	s2 =	sld [smem:$0x3FD9]  }
0x89: {  	s3 =	sld [smem:$0x3FFE];
	_ =	sdelay $0x1  }
0x8a: {  	s1 =	srdreg.scid  }
0x8b: {  	s0 =	sand.u32 $0x1, s1  }
0x8c: {  	s17 =	sshll.u32 s0, $0xA;
	s2 =	sadd.s32 s3, s2  }
0x8d: {  	s2 =	sadd.s32 s2, s17  }
0x8e: {  	[smem:$0x3FC0] =	sst s2  }
0x8f: {  	_ = 	snop  }
0x90: {  	s2 =	sld [smem:$0x3FD0];
	(tm) =	ssettm $0x1  }
0x91: {  	s18 =	sld [smem:$0x3FFB];
	_ =	sdelay $0x3  }
0x92: {  	_ =	strace s18  }
0x93: {  	s3 =	sld [smem:$0x3FFC];
	_ =	sdelay $0x3  }
0x94: {  	_ =	strace s3  }
0x95: {  	s3 =	sld [smem:$0x3FFD];
	_ =	sdelay $0x3  }
0x96: {  	_ =	strace s3  }
0x97: {  	_ =	strace $0x8FFFFFFF  }
0x98: {  	s19 =	sld [smem:$0x3FDB];
	_ =	sdelay $0x1  }
0x99: {  	s4 =	simm.s32 $_scs_section_size  }
0x9a: {  	s5 =	simm.s32 $_size__tile_overlayer_lowered;
	s6 =	simm.s32 $_tile_overlayer_lowered  }
0x9b: {  	s22 =	simm.s32 $0x1BFF;
	s21 =	sshll.u32 s6, $0x1;
	s3 =	sadd.s32 s4, s19  }
0x9c: {  	s7 =	simm.s32 $0x0;
	s20 =	sshll.u32 s5, $0x1;
	s5 =	sadd.s32 s21, s3  }
0x9d: {  	[timem:s7], [sflag:s22] =	dma.local [hbm:s5], s20  }
0x9e: {  	_ =	swait.ge [sflag:s22], s20  }
0x9f: {  	s4 =	ssub.s32 $0x0, s20;
	[sflag:s22] =	ssyncset.done $0x0  }
0xa0: {  	[sflag:s22] =	ssyncadd.s32 s4;
	_ =	sdelay $0x1  }
0xa1: {  	s23 =	simm.s32 $0x1B8B  }
0xa2: {  	_ =	swait.ge [sflag:s23], $0x1  }
0xa3: {  	[sflag:s23] =	ssyncset.done $0x0  }
0xa4: {  	s25 =	simm.s32 $0x1B8E;
	s24 =	sld [smem:$0x3FFE];
	[sflag:s23] =	ssyncadd.s32 $0xFFFFFFFF  }
0xa5: {  	s26 =	simm.s32 $execute0_lowered;
	[smem:$0x3FD2] =	sst s25  }
0xa6: {  	s5 =	sshll.u32 s26, $0x1;
	_ =	strace $0x80000049;
	[dreg:$0x1] =	wrdreg $0xFFFFFFFF  }
0xa7: {  	s28 =	simm.s32 $_size_execute0_lowered;
	s3 =	sadd.s32 s3, s5;
	[dreg:$0x0] =	wrdreg $0x0  }
0xa8: {  	s5 =	sshll.u32 s28, $0x1;
	[dreg:$0x2] =	wrdreg s3  }
0xa9: {  	[dreg:$0x3] =	wrdreg s5  }
0xaa: {  	[dreg:$0x4] =	wrdreg $0xC0  }
0xab: {  	_ =	task [dreg:s7], $0x5FFFF  }
0xac: {  	[dreg:$0x1] =	wrdreg $0xFFFFFFFF  }
0xad: {  	[dreg:$0x0] =	wrdreg $0x60  }
0xae: {  	[dreg:$0x2] =	wrdreg s2  }
0xaf: {  	[dreg:$0x3] =	wrdreg s24  }
0xb0: {  	[dreg:$0x4] =	wrdreg $0x0  }
0xb1: {  	[dreg:$0x5] =	wrdreg $0x9  }
0xb2: {  	_ =	task.clear_ibuf [dreg:s7], $0x6FFFF;
	_ =	strace $0x90000049  }
0xb3: {  	s29 =	simm.s32 $0x9;
	_ =	strace $0x8000004B  }
0xb4: {  	_ =	swait.ge [sflag:s29], $0x1  }
0xb5: {  	[sflag:s29] =	ssyncadd.s32 $0xFFFFFFFF  }
0xb6: {  	_ =	strace $0x9000004B  }
0xb7: {  	_ =	sfence  }
0xb8: {  	s30 =	sld [smem:$0x0];
	_ =	sdelay $0x2  }
0xb9: {  	s31 =	sshll.u32 s1, $0xD;
	s1 =	sshrl.u32 s1, $0x2  }
0xba: {  	s3 =	sand.u32 $0x4000, s31;
	s1 =	sadd.s32 s1, s30  }
0xbb: {  	s0 =	sor.u32 s3, s0;
	s1 =	sshll.u32 s1, $0x11  }
0xbc: {  	s0 =	sor.u32 s1, s0  }
0xbd: {  	s0 =	sadd.s32 $0x8F2B, s0  }
0xbe: {  	[sflag:s0] =	ssyncadd.remote.s32 $0x1  }
0xbf: {  	_ =	sfence.sel $0xFFFF  }
0xc0: {  	[dreg:$0x0] =	wrdreg $0xFFFFFFFF;
	(pc) =	sbr.abs _section_cstart, $3  }
0xc1: {  	[dreg:$0x1] =	wrdreg $0xFFFFFFFF  }
0xc2: {  	_ =	task.clear_ibuf [dreg:s7], $0x2FFFF;
	_ =	strace $0x9FFFFFFF  }
0xc3: {  	(tm) =	ssettm $0x7FFFFFFF  }
tec
execute0_lowered:
.L_overlay_start_1:
0x0: {  	(tag) =	ssettag $0x1  }
0x1: {  	s1 =	rddreg [dreg:$0x0]  }
0x2: {  	s0 =	rddreg [dreg:$0x1]  }
0x3: {  	s3 =	rddreg [dreg:$0x2];
	s4 =	simm.s32 $0x0  }
0x4: {  	s13 =	stileid.u32;
	s6 =	srdreg.scid;
	s20 =	simm.s32 $0x3  }
0x5: {  	s28 =	simm.s32 $0x1A400;
	s29 =	simm.s32 $0x16300;
	s30 =	simm.s32 $0x16380  }
0x6: {  	s31 =	simm.s32 $0x0;
	[smem:$0x7FF] =	sst s4;
	s2 =	smul.u32 $0x2780, s13  }
0x7: {  	s5 =	sadd.s32 $0x4000, s0;
	s6 =	sand.u32 $0x1, s6;
	s7 =	smul.u32 $0x4F000, s13  }
0x8: {  	s9 =	sadd.s32 $0x52400, s0;
	s10 =	sadd.s32 $0x57400, s0;
	s21 =	smul.u32 $0x500, s13  }
0x9: {  	s23 =	sshll.u32 s13, $0x6;
	s12 =	smul.u32 $0x2800, s13;
	p4 =	sne.s32 s13, $0xF  }
0xa: {  	p1 =	seq.s32 s13, $0xF;
	s13 =	sadd.s32 $0x128400, s3;
	s25 =	sadd.s32 $0x50280, s0  }
0xb: {  	_ =	strace $0x8000004A;
	s8 =	ssub.s32 $0x2, s6;
	p2 =	seq.s32 s6, $0x0  }
0xc: {  	p0 =	seq.s32 s6, $0x1;
	[dreg:$0xa] =	wrdreg s25;
	s25 =	simm.s32 $0x16400  }
0xd: {  	s2 =	sadd.s32 s2, s0;
	s11 =	sshrl.u32 s8, $0x1;
	s7 =	sshrl.u32 s7, $0x2  }
0xe: {  	s15 =	sadd.s32 s9, s21;
	s24 =	sshrl.u32 s12, $0x3;
	p3 =	por !p2, !p4  }
0xf: {  	p5 =	por !p2, !p1;
	p4 =	por !p4, !p0;
	s0 =	sadd.s32 $0xA8C80, s0  }
0x10: {  	s11 =	ssub.s32 s8, s11;
	s14 =	sadd.s32 s7, s3;
	s22 =	sadd.s32 $0x5C400, s2  }
0x11: {  	s8 =	sor.u32 $0x1C03, s23;
	[dreg:$0x6] =	wrdreg s15;
	s7 =	sadd.s32 s10, s21  }
0x12: {  	p2 =	por !p3, !p3;
	p3 =	por !p5, !p5;
	[dreg:$0xd] =	wrdreg s0  }
0x13: {  	s26 =	sadd.s32 $0x2B200, s2;
	p4 =	por !p4, !p4;
	[dreg:$0x5] =	wrdreg s22  }
0x14: {  	s2 =	sadd.s32 $0x83C00, s2;
	p5 =	sne.s32 s6, $0x0;
	[dreg:$0x7] =	wrdreg s7  }
0x15: {  	s23 =	simm.s32 $0x1;
	s7 =	sadd.s32 $0x280, s24;
	[dreg:$0xb] =	wrdreg s26  }
.Ltmp0:
0x16: {  	[dreg:$0xc] =	wrdreg s2;
	s18 =	smax.u32 s11, $0x1;
	(pc) =	sbr.rel .LBB2_1-.Ltmp0, $4  }
0x17: {  	[dreg:$0x4] =	wrdreg s14;
	s9 =	sadd.s32 s9, s7;
	s7 =	sadd.s32 s10, s7  }
0x18: {  	s19 =	sshrl.u32 s14, $0x3;
	[dreg:$0x9] =	wrdreg s7;
	s7 =	simm.s32 @!p3 $0x0  }
0x19: {  	s22 =	simm.s32 $0x15000;
	[dreg:$0x8] =	wrdreg s9;
	s7 =	simm.s32 @p3 $0x1  }
0x1a: {  	s24 =	simm.s32 $0x80;
	s26 =	simm.s32 $0x2;
	[smem:$0x7FD] =	sst s7  }
.LBB2_9:
0x1b: {  	s0 =	sshrl.u32 s13, $0x3;
	s2 =	rddreg [dreg:$0xa]  }
0x1c: {  	[hbm:s2], [sflag:s8] =	dma.local [spmem:s0], $0x2080  }
0x1d: {  	_ =	swait.ge [sflag:s20], $0x2080  }
0x1e: {  	[sflag:s20] =	ssyncset.done $0x0  }
0x1f: {  	p6 =	por $0x1, $0x1;
	[sflag:s20] =	ssyncadd.s32 $0xFFFFDF80  }
.LBB2_10:
0x20: {  	p6 =	por !p6, !p0  }
0x21: {  	s31 =	sadd.s32 $0x1, s31;
	p6 =	por !p6, !p6  }
0x22: {  	s2 =	rddreg [dreg:$0xd];
	p3 =	sne.s32 s31, s18;
	s0 =	sshrl.u32 @p6 s13, $0x3  }
0x23: {  	[hbm:s2], [sflag:s8] =	dma.local @p6 [spmem:s0], $0x2080  }
.Ltmp1:
0x24: {  	_ = 	snop;
	(pc) =	sbr.rel @!p3 .LBB2_11-.Ltmp1, $4  }
0x25: {  	s0 =	simm.s32 @p6 $0x3  }
0x26: {  	_ =	swait.ge @p6 [sflag:s0], $0x2080  }
0x27: {  	[sflag:s0] =	ssyncset.done @p6 $0x0  }
0x28: {  	[sflag:s0] =	ssyncadd.s32 @p6 $0xFFFFDF80  }
.LBB2_1:
0x29: {  	s0 =	rddreg [dreg:$0x5]  }
0x2a: {  	[spmem:s19], [sflag:s8] =	dma.local [hbm:s0], $0x2780  }
0x2b: {  	_ =	swait.ge [sflag:s20], $0x2780  }
0x2c: {  	[sflag:s20] =	ssyncset.done $0x0  }
0x2d: {  	[sflag:s20] =	ssyncadd.s32 $0xFFFFD880  }
0x2e: {  	[bflag:$0x0] =	sbarrier.arrive $0xFFFF  }
0x2f: {  	s2 =	simm.s32 $0x13C00;
	s16 =	rddreg [dreg:$0x6]  }
0x30: {  	[tilespmem:s2], [sflag:$0x3] =	stream.linear.gather [hbm4b:s16+s4], $0x1400, $0x38;
	[tilespmem:$0x1E400] =	vst v63  }
0x31: {  	_ =	swait.ge [sflag:s20], $0x1400  }
0x32: {  	[sflag:s20] =	ssyncset.done $0x0  }
0x33: {  	s17 =	rddreg [dreg:$0x7];
	[sflag:s20] =	ssyncadd.s32 $0xFFFFEC00  }
0x34: {  	[tilespmem:s22], [sflag:$0x3] =	stream.linear.gather [hbm4b:s17+s4], $0x1400, $0x38;
	[tilespmem:$0x1E400] =	vst v63  }
0x35: {  	_ =	swait.ge [sflag:s20], $0x1400  }
0x36: {  	s15 =	simm.s32 @!p5 $0x16400;
	[sflag:s20] =	ssyncset.done $0x0  }
0x37: {  	s0 =	simm.s32 @!p5 $0x13C00;
	s2 =	simm.s32 @!p5 $0x80;
	[sflag:s20] =	ssyncadd.s32 $0xFFFFEC00  }
0x38: {  	[tilespmem:s15], [sflag:$0x1] =	stream.indirect.gather @!p5 [hbm4b:s1+s2], $0x80, s0, s2, $0xb8;
	[tilespmem:$0x1E400] =	vst v63  }
0x39: {  	s6 =	simm.s32 @p0 $0x80;
	s16 =	simm.s32 @p0 $0x16400;
	s0 =	simm.s32 @p0 $0x13C00  }
0x3a: {  	[tilespmem:s16], [sflag:$0x1] =	stream.indirect.gather @p0 [hbm4b:s5+s6], $0x80, s0, s6, $0xb8;
	[tilespmem:$0x1E400] =	vst v63  }
0x3b: {  	s14 =	simm.s32 @!p5 $0x1A400;
	s0 =	simm.s32 @!p5 $0x13C80  }
0x3c: {  	[tilespmem:s14], [sflag:$0x2] =	stream.indirect.gather @!p5 [hbm4b:s1+s2], $0x80, s0, s2, $0xb8;
	[tilespmem:$0x1E400] =	vst v63  }
0x3d: {  	s7 =	simm.s32 @p0 $0x13C80;
	s0 =	simm.s32 @p0 $0x1A400  }
0x3e: {  	[tilespmem:s0], [sflag:$0x2] =	stream.indirect.gather @p0 [hbm4b:s5+s6], $0x80, s7, s6, $0xb8;
	[tilespmem:$0x1E400] =	vst v63  }
0x3f: {  	_ =	swait.ge [sflag:s23], $0x4000  }
0x40: {  	[sflag:s23] =	ssyncset.done $0x0  }
0x41: {  	s21 =	simm.s32 $0x15000;
	[sflag:s23] =	ssyncadd.s32 $0xFFFFC000  }
0x42: {  	[spmem:s3] =	stream.indirect.scatter.add.f32 [tilespmem:s25], [sflag:$0x3], $0x80, s21, s24, $0xb8;
	[tilespmem:$0x1E400] =	vst v63  }
0x43: {  	_ =	swait.ge [sflag:s20], $0x4000  }
0x44: {  	[sflag:s20] =	ssyncset.done $0x0  }
0x45: {  	s7 =	simm.s32 @!p5 $0x13D00;
	[sflag:s20] =	ssyncadd.s32 $0xFFFFC000  }
0x46: {  	[tilespmem:s15], [sflag:$0x1] =	stream.indirect.gather @!p5 [hbm4b:s1+s2], $0x80, s7, s2, $0xb8;
	[tilespmem:$0x1E400] =	vst v63  }
0x47: {  	s7 =	simm.s32 @p0 $0x13D00  }
0x48: {  	[tilespmem:s16], [sflag:$0x1] =	stream.indirect.gather @p0 [hbm4b:s5+s6], $0x80, s7, s6, $0xb8;
	[tilespmem:$0x1E400] =	vst v63  }
0x49: {  	_ =	swait.ge [sflag:s26], $0x4000  }
0x4a: {  	[sflag:s26] =	ssyncset.done $0x0  }
0x4b: {  	s9 =	simm.s32 $0x15080;
	s11 =	simm.s32 @!p5 $0x100;
	[sflag:s26] =	ssyncadd.s32 $0xFFFFC000  }
0x4c: {  	[spmem:s3] =	stream.indirect.scatter.add.f32 [tilespmem:s28], [sflag:$0x3], $0x80, s9, s24, $0xb8;
	[tilespmem:$0x1E400] =	vst v63  }
0x4d: {  	s10 =	simm.s32 @p0 $0x100;
	s12 =	simm.s32 @!p5 $0x1A400;
	_ =	swait.ge [sflag:s20], $0x4000  }
0x4e: {  	s7 =	simm.s32 $0x400;
	s9 =	simm.s32 $0x800;
	[sflag:s20] =	ssyncset.done $0x0  }
.LBB2_2:
0x4f: {  	s21 =	sadd.s32 @!p5 $0x13C80, s11;
	[sflag:s20] =	ssyncadd.s32 $0xFFFFC000;
	s17 =	smov.u32 s9  }
0x50: {  	[tilespmem:s12], [sflag:$0x2] =	stream.indirect.gather @!p5 [hbm4b:s1+s2], $0x80, s21, s2, $0xb8;
	[tilespmem:$0x1E400] =	vst v63  }
0x51: {  	s9 =	sadd.s32 $0x400, s9;
	s12 =	sadd.s32 @p0 $0x13C80, s10  }
0x52: {  	[tilespmem:s0], [sflag:$0x2] =	stream.indirect.gather @p0 [hbm4b:s5+s6], $0x80, s12, s6, $0xb8;
	[tilespmem:$0x1E400] =	vst v63  }
0x53: {  	p6 =	sne.s32 s9, $0x4C00;
	s12 =	smov.u32 s14;
	_ =	swait.ge [sflag:s23], $0x4000  }
0x54: {  	s21 =	sshra.s32 s7, $0x2;
	s7 =	smov.u32 s17;
	[sflag:s23] =	ssyncset.done $0x0  }
0x55: {  	s17 =	sadd.s32 $0x15000, s21;
	[sflag:s23] =	ssyncadd.s32 $0xFFFFC000  }
0x56: {  	[spmem:s3] =	stream.indirect.scatter.add.f32 [tilespmem:s25], [sflag:$0x3], $0x80, s17, s24, $0xb8;
	[tilespmem:$0x1E400] =	vst v63  }
0x57: {  	_ =	swait.ge [sflag:s20], $0x4000  }
0x58: {  	[sflag:s20] =	ssyncset.done $0x0  }
0x59: {  	s11 =	sadd.s32 @!p5 $0x13D00, s11;
	[sflag:s20] =	ssyncadd.s32 $0xFFFFC000  }
0x5a: {  	[tilespmem:s15], [sflag:$0x1] =	stream.indirect.gather @!p5 [hbm4b:s1+s2], $0x80, s11, s2, $0xb8;
	[tilespmem:$0x1E400] =	vst v63  }
0x5b: {  	s10 =	sadd.s32 @p0 $0x13D00, s10  }
0x5c: {  	[tilespmem:s16], [sflag:$0x1] =	stream.indirect.gather @p0 [hbm4b:s5+s6], $0x80, s10, s6, $0xb8;
	[tilespmem:$0x1E400] =	vst v63  }
0x5d: {  	_ =	swait.ge [sflag:s26], $0x4000  }
.Ltmp2:
0x5e: {  	[sflag:s26] =	ssyncset.done $0x0;
	(pc) =	sbr.rel @p6 .LBB2_2-.Ltmp2, $4  }
0x5f: {  	s10 =	sadd.s32 $0x15080, s21;
	[sflag:s26] =	ssyncadd.s32 $0xFFFFC000  }
0x60: {  	[spmem:s3] =	stream.indirect.scatter.add.f32 [tilespmem:s28], [sflag:$0x3], $0x80, s10, s24, $0xb8;
	[tilespmem:$0x1E400] =	vst v63  }
0x61: {  	_ =	swait.ge [sflag:s20], $0x4000  }
0x62: {  	s11 =	sshra.s32 @!p5 s7, $0x2;
	s10 =	sshra.s32 @p0 s7, $0x2;
	[sflag:s20] =	ssyncset.done $0x0  }
0x63: {  	s0 =	sadd.s32 @!p5 $0x13C80, s11;
	[sflag:s20] =	ssyncadd.s32 $0xFFFFC000  }
0x64: {  	[tilespmem:s12], [sflag:$0x2] =	stream.indirect.gather @!p5 [hbm4b:s1+s2], $0x80, s0, s2, $0xb8;
	[tilespmem:$0x1E400] =	vst v63  }
0x65: {  	s9 =	sadd.s32 @p0 $0x13C80, s10;
	s0 =	simm.s32 @p0 $0x1A400  }
0x66: {  	[tilespmem:s0], [sflag:$0x2] =	stream.indirect.gather @p0 [hbm4b:s5+s6], $0x80, s9, s6, $0xb8;
	[tilespmem:$0x1E400] =	vst v63  }
0x67: {  	_ =	swait.ge [sflag:s23], $0x4000  }
0x68: {  	s7 =	sshra.s32 s7, $0x2;
	[sflag:s23] =	ssyncset.done $0x0  }
0x69: {  	s21 =	sadd.s32 $0x15000, s7;
	[sflag:s23] =	ssyncadd.s32 $0xFFFFC000  }
0x6a: {  	[spmem:s3] =	stream.indirect.scatter.add.f32 [tilespmem:s25], [sflag:$0x3], $0x80, s21, s24, $0xb8;
	[tilespmem:$0x1E400] =	vst v63  }
0x6b: {  	_ =	swait.ge [sflag:s20], $0x4000  }
0x6c: {  	[sflag:s20] =	ssyncset.done $0x0  }
0x6d: {  	s9 =	sadd.s32 @!p5 $0x13D00, s11;
	[sflag:s20] =	ssyncadd.s32 $0xFFFFC000  }
0x6e: {  	[tilespmem:s15], [sflag:$0x1] =	stream.indirect.gather @!p5 [hbm4b:s1+s2], $0x80, s9, s2, $0xb8;
	[tilespmem:$0x1E400] =	vst v63  }
0x6f: {  	s2 =	sadd.s32 @p0 $0x13D00, s10  }
0x70: {  	[tilespmem:s16], [sflag:$0x1] =	stream.indirect.gather @p0 [hbm4b:s5+s6], $0x80, s2, s6, $0xb8;
	[tilespmem:$0x1E400] =	vst v63  }
0x71: {  	_ =	swait.ge [sflag:s26], $0x4000  }
0x72: {  	[sflag:s26] =	ssyncset.done $0x0  }
0x73: {  	s11 =	sadd.s32 $0x15080, s7;
	[sflag:s26] =	ssyncadd.s32 $0xFFFFC000  }
0x74: {  	[spmem:s3] =	stream.indirect.scatter.add.f32 [tilespmem:s28], [sflag:$0x3], $0x80, s11, s24, $0xb8;
	[tilespmem:$0x1E400] =	vst v63  }
0x75: {  	_ =	swait.ge [sflag:s20], $0x4000  }
0x76: {  	[sflag:s20] =	ssyncset.done $0x0  }
0x77: {  	s2 =	simm.s32 @!p5 $0x80;
	s6 =	simm.s32 @!p5 $0x14F80;
	[sflag:s20] =	ssyncadd.s32 $0xFFFFC000  }
0x78: {  	[tilespmem:s14], [sflag:$0x2] =	stream.indirect.gather @!p5 [hbm4b:s1+s2], $0x80, s6, s2, $0xb8;
	[tilespmem:$0x1E400] =	vst v63  }
0x79: {  	s14 =	simm.s32 @p0 $0x80;
	s6 =	simm.s32 @p0 $0x14F80  }
0x7a: {  	[tilespmem:s0], [sflag:$0x2] =	stream.indirect.gather @p0 [hbm4b:s5+s14], $0x80, s6, s14, $0xb8;
	[tilespmem:$0x1E400] =	vst v63  }
0x7b: {  	_ =	swait.ge [sflag:s23], $0x4000  }
0x7c: {  	[sflag:s23] =	ssyncset.done $0x0  }
0x7d: {  	[sflag:s23] =	ssyncadd.s32 $0xFFFFC000  }
0x7e: {  	[spmem:s3] =	stream.indirect.scatter.add.f32 [tilespmem:s25], [sflag:$0x3], $0x80, s29, s24, $0xb8;
	[tilespmem:$0x1E400] =	vst v63  }
0x7f: {  	_ =	swait.ge [sflag:s20], $0x4000  }
0x80: {  	[sflag:s20] =	ssyncset.done $0x0  }
0x81: {  	[sflag:s20] =	ssyncadd.s32 $0xFFFFC000  }
0x82: {  	_ =	swait.ge [sflag:s26], $0x4000  }
0x83: {  	[sflag:s26] =	ssyncset.done $0x0  }
0x84: {  	[sflag:s26] =	ssyncadd.s32 $0xFFFFC000  }
0x85: {  	[spmem:s3] =	stream.indirect.scatter.add.f32 [tilespmem:s28], [sflag:$0x3], $0x80, s30, s24, $0xb8;
	[tilespmem:$0x1E400] =	vst v63  }
0x86: {  	_ =	swait.ge [sflag:s20], $0x4000  }
0x87: {  	[sflag:s20] =	ssyncset.done $0x0  }
0x88: {  	s15 =	simm.s32 $0x13C00;
	s12 =	rddreg [dreg:$0x8];
	[sflag:s20] =	ssyncadd.s32 $0xFFFFC000  }
0x89: {  	[tilespmem:s15], [sflag:$0x3] =	stream.linear.gather [hbm4b:s12+s4], $0x1400, $0x38;
	[tilespmem:$0x1E400] =	vst v63  }
0x8a: {  	_ =	swait.ge [sflag:s20], $0x1400  }
0x8b: {  	[sflag:s20] =	ssyncset.done $0x0  }
0x8c: {  	s16 =	rddreg [dreg:$0x9];
	[sflag:s20] =	ssyncadd.s32 $0xFFFFEC00  }
0x8d: {  	[tilespmem:s22], [sflag:$0x3] =	stream.linear.gather [hbm4b:s16+s4], $0x1400, $0x38;
	[tilespmem:$0x1E400] =	vst v63  }
0x8e: {  	_ =	swait.ge [sflag:s20], $0x1400  }
0x8f: {  	[sflag:s20] =	ssyncset.done $0x0  }
0x90: {  	s7 =	simm.s32 @!p5 $0x13C00;
	s6 =	simm.s32 @!p5 $0x16400;
	[sflag:s20] =	ssyncadd.s32 $0xFFFFEC00  }
0x91: {  	[tilespmem:s6], [sflag:$0x1] =	stream.indirect.gather @!p5 [hbm4b:s1+s2], $0x80, s7, s2, $0xb8;
	[tilespmem:$0x1E400] =	vst v63  }
0x92: {  	s16 =	simm.s32 @p0 $0x16400;
	s7 =	simm.s32 @p0 $0x13C00  }
0x93: {  	[tilespmem:s16], [sflag:$0x1] =	stream.indirect.gather @p0 [hbm4b:s5+s14], $0x80, s7, s14, $0xb8;
	[tilespmem:$0x1E400] =	vst v63  }
0x94: {  	s15 =	simm.s32 @!p5 $0x1A400;
	s7 =	simm.s32 @!p5 $0x13C80  }
0x95: {  	[tilespmem:s15], [sflag:$0x2] =	stream.indirect.gather @!p5 [hbm4b:s1+s2], $0x80, s7, s2, $0xb8;
	[tilespmem:$0x1E400] =	vst v63  }
0x96: {  	s7 =	simm.s32 @p0 $0x13C80  }
0x97: {  	[tilespmem:s0], [sflag:$0x2] =	stream.indirect.gather @p0 [hbm4b:s5+s14], $0x80, s7, s14, $0xb8;
	[tilespmem:$0x1E400] =	vst v63  }
0x98: {  	_ =	swait.ge [sflag:s23], $0x4000  }
0x99: {  	[sflag:s23] =	ssyncset.done $0x0  }
0x9a: {  	s17 =	simm.s32 $0x15000;
	[sflag:s23] =	ssyncadd.s32 $0xFFFFC000  }
0x9b: {  	[spmem:s3] =	stream.indirect.scatter.add.f32 [tilespmem:s25], [sflag:$0x3], $0x80, s17, s24, $0xb8;
	[tilespmem:$0x1E400] =	vst v63  }
0x9c: {  	_ =	swait.ge [sflag:s20], $0x4000  }
0x9d: {  	[sflag:s20] =	ssyncset.done $0x0  }
0x9e: {  	s7 =	simm.s32 @!p5 $0x13D00;
	[sflag:s20] =	ssyncadd.s32 $0xFFFFC000  }
0x9f: {  	[tilespmem:s6], [sflag:$0x1] =	stream.indirect.gather @!p5 [hbm4b:s1+s2], $0x80, s7, s2, $0xb8;
	[tilespmem:$0x1E400] =	vst v63  }
0xa0: {  	s7 =	simm.s32 @p0 $0x13D00  }
0xa1: {  	[tilespmem:s16], [sflag:$0x1] =	stream.indirect.gather @p0 [hbm4b:s5+s14], $0x80, s7, s14, $0xb8;
	[tilespmem:$0x1E400] =	vst v63  }
0xa2: {  	_ =	swait.ge [sflag:s26], $0x4000  }
0xa3: {  	[sflag:s26] =	ssyncset.done $0x0  }
0xa4: {  	s21 =	simm.s32 $0x15080;
	s9 =	simm.s32 $0x800;
	[sflag:s26] =	ssyncadd.s32 $0xFFFFC000  }
0xa5: {  	[spmem:s3] =	stream.indirect.scatter.add.f32 [tilespmem:s28], [sflag:$0x3], $0x80, s21, s24, $0xb8;
	[tilespmem:$0x1E400] =	vst v63  }
0xa6: {  	s10 =	simm.s32 @p0 $0x100;
	s11 =	simm.s32 @!p5 $0x100;
	_ =	swait.ge [sflag:s20], $0x4000  }
0xa7: {  	s12 =	simm.s32 @!p5 $0x1A400;
	s7 =	simm.s32 $0x400;
	[sflag:s20] =	ssyncset.done $0x0  }
.LBB2_4:
0xa8: {  	s17 =	sadd.s32 @!p5 $0x13C80, s11;
	[sflag:s20] =	ssyncadd.s32 $0xFFFFC000;
	s21 =	smov.u32 s9  }
0xa9: {  	[tilespmem:s12], [sflag:$0x2] =	stream.indirect.gather @!p5 [hbm4b:s1+s2], $0x80, s17, s2, $0xb8;
	[tilespmem:$0x1E400] =	vst v63  }
0xaa: {  	s9 =	sadd.s32 $0x400, s9;
	s12 =	sadd.s32 @p0 $0x13C80, s10  }
0xab: {  	[tilespmem:s0], [sflag:$0x2] =	stream.indirect.gather @p0 [hbm4b:s5+s14], $0x80, s12, s14, $0xb8;
	[tilespmem:$0x1E400] =	vst v63  }
0xac: {  	p6 =	sne.s32 s9, $0x4C00;
	s12 =	smov.u32 s15;
	_ =	swait.ge [sflag:s23], $0x4000  }
0xad: {  	s17 =	sshra.s32 s7, $0x2;
	s7 =	smov.u32 s21;
	[sflag:s23] =	ssyncset.done $0x0  }
0xae: {  	s21 =	sadd.s32 $0x15000, s17;
	[sflag:s23] =	ssyncadd.s32 $0xFFFFC000  }
0xaf: {  	[spmem:s3] =	stream.indirect.scatter.add.f32 [tilespmem:s25], [sflag:$0x3], $0x80, s21, s24, $0xb8;
	[tilespmem:$0x1E400] =	vst v63  }
0xb0: {  	_ =	swait.ge [sflag:s20], $0x4000  }
0xb1: {  	[sflag:s20] =	ssyncset.done $0x0  }
0xb2: {  	s11 =	sadd.s32 @!p5 $0x13D00, s11;
	[sflag:s20] =	ssyncadd.s32 $0xFFFFC000  }
0xb3: {  	[tilespmem:s6], [sflag:$0x1] =	stream.indirect.gather @!p5 [hbm4b:s1+s2], $0x80, s11, s2, $0xb8;
	[tilespmem:$0x1E400] =	vst v63  }
0xb4: {  	s10 =	sadd.s32 @p0 $0x13D00, s10  }
0xb5: {  	[tilespmem:s16], [sflag:$0x1] =	stream.indirect.gather @p0 [hbm4b:s5+s14], $0x80, s10, s14, $0xb8;
	[tilespmem:$0x1E400] =	vst v63  }
0xb6: {  	_ =	swait.ge [sflag:s26], $0x4000  }
.Ltmp3:
0xb7: {  	[sflag:s26] =	ssyncset.done $0x0;
	(pc) =	sbr.rel @p6 .LBB2_4-.Ltmp3, $4  }
0xb8: {  	s10 =	sadd.s32 $0x15080, s17;
	[sflag:s26] =	ssyncadd.s32 $0xFFFFC000  }
0xb9: {  	[spmem:s3] =	stream.indirect.scatter.add.f32 [tilespmem:s28], [sflag:$0x3], $0x80, s10, s24, $0xb8;
	[tilespmem:$0x1E400] =	vst v63  }
0xba: {  	_ =	swait.ge [sflag:s20], $0x4000  }
0xbb: {  	s11 =	sshra.s32 @!p5 s7, $0x2;
	s10 =	sshra.s32 @p0 s7, $0x2;
	[sflag:s20] =	ssyncset.done $0x0  }
0xbc: {  	s0 =	sadd.s32 @!p5 $0x13C80, s11;
	[sflag:s20] =	ssyncadd.s32 $0xFFFFC000  }
0xbd: {  	[tilespmem:s12], [sflag:$0x2] =	stream.indirect.gather @!p5 [hbm4b:s1+s2], $0x80, s0, s2, $0xb8;
	[tilespmem:$0x1E400] =	vst v63  }
0xbe: {  	s9 =	simm.s32 @p0 $0x1A400;
	s0 =	sadd.s32 @p0 $0x13C80, s10  }
0xbf: {  	[tilespmem:s9], [sflag:$0x2] =	stream.indirect.gather @p0 [hbm4b:s5+s14], $0x80, s0, s14, $0xb8;
	[tilespmem:$0x1E400] =	vst v63  }
0xc0: {  	_ =	swait.ge [sflag:s23], $0x4000  }
0xc1: {  	s21 =	sshra.s32 s7, $0x2;
	[sflag:s23] =	ssyncset.done $0x0  }
0xc2: {  	s7 =	sadd.s32 $0x15000, s21;
	[sflag:s23] =	ssyncadd.s32 $0xFFFFC000  }
0xc3: {  	[spmem:s3] =	stream.indirect.scatter.add.f32 [tilespmem:s25], [sflag:$0x3], $0x80, s7, s24, $0xb8;
	[tilespmem:$0x1E400] =	vst v63  }
0xc4: {  	_ =	swait.ge [sflag:s20], $0x4000  }
0xc5: {  	[sflag:s20] =	ssyncset.done $0x0  }
0xc6: {  	s7 =	sadd.s32 @!p5 $0x13D00, s11;
	[sflag:s20] =	ssyncadd.s32 $0xFFFFC000  }
0xc7: {  	[tilespmem:s6], [sflag:$0x1] =	stream.indirect.gather @!p5 [hbm4b:s1+s2], $0x80, s7, s2, $0xb8;
	[tilespmem:$0x1E400] =	vst v63  }
0xc8: {  	s2 =	sadd.s32 @p0 $0x13D00, s10  }
0xc9: {  	[tilespmem:s16], [sflag:$0x1] =	stream.indirect.gather @p0 [hbm4b:s5+s14], $0x80, s2, s14, $0xb8;
	[tilespmem:$0x1E400] =	vst v63  }
0xca: {  	_ =	swait.ge [sflag:s26], $0x4000  }
0xcb: {  	[sflag:s26] =	ssyncset.done $0x0  }
0xcc: {  	s0 =	sadd.s32 $0x15080, s21;
	[sflag:s26] =	ssyncadd.s32 $0xFFFFC000  }
0xcd: {  	[spmem:s3] =	stream.indirect.scatter.add.f32 [tilespmem:s28], [sflag:$0x3], $0x80, s0, s24, $0xb8;
	[tilespmem:$0x1E400] =	vst v63  }
0xce: {  	_ =	swait.ge [sflag:s20], $0x4000  }
0xcf: {  	[sflag:s20] =	ssyncset.done $0x0  }
0xd0: {  	s2 =	simm.s32 @!p5 $0x14F80;
	s0 =	simm.s32 @!p5 $0x80;
	[sflag:s20] =	ssyncadd.s32 $0xFFFFC000  }
0xd1: {  	[tilespmem:s15], [sflag:$0x2] =	stream.indirect.gather @!p5 [hbm4b:s1+s0], $0x80, s2, s0, $0xb8;
	[tilespmem:$0x1E400] =	vst v63  }
0xd2: {  	s0 =	simm.s32 @p0 $0x80;
	s2 =	simm.s32 @p0 $0x14F80  }
0xd3: {  	[tilespmem:s9], [sflag:$0x2] =	stream.indirect.gather @p0 [hbm4b:s5+s0], $0x80, s2, s0, $0xb8;
	[tilespmem:$0x1E400] =	vst v63  }
0xd4: {  	_ =	swait.ge [sflag:s23], $0x4000  }
0xd5: {  	[sflag:s23] =	ssyncset.done $0x0  }
0xd6: {  	[sflag:s23] =	ssyncadd.s32 $0xFFFFC000  }
0xd7: {  	[spmem:s3] =	stream.indirect.scatter.add.f32 [tilespmem:s25], [sflag:$0x3], $0x80, s29, s24, $0xb8;
	[tilespmem:$0x1E400] =	vst v63  }
0xd8: {  	_ =	swait.ge [sflag:s20], $0x4000  }
0xd9: {  	[sflag:s20] =	ssyncset.done $0x0  }
0xda: {  	[sflag:s20] =	ssyncadd.s32 $0xFFFFC000  }
0xdb: {  	_ =	swait.ge [sflag:s26], $0x4000  }
0xdc: {  	[sflag:s26] =	ssyncset.done $0x0  }
0xdd: {  	[sflag:s26] =	ssyncadd.s32 $0xFFFFC000  }
0xde: {  	[spmem:s3] =	stream.indirect.scatter.add.f32 [tilespmem:s28], [sflag:$0x3], $0x80, s30, s24, $0xb8;
	[tilespmem:$0x1E400] =	vst v63  }
.Ltmp4:
0xdf: {  	_ =	swait.ge [sflag:s20], $0x4000;
	(pc) =	sbr.rel @!p2 .LBB2_8-.Ltmp4, $3  }
0xe0: {  	[sflag:s20] =	ssyncset.done $0x0  }
0xe1: {  	[sflag:s20] =	ssyncadd.s32 $0xFFFFC000  }
0xe2: {  	[bflag:$0x0] =	sbarrier.arrive $0xFFFF;
	_ =	sdelay $0x1  }
.Ltmp5:
0xe3: {  	s0 =	rddreg [dreg:$0xb];
	(pc) =	sbr.rel .LBB2_7-.Ltmp5, $4  }
0xe4: {  	[hbm:s0], [sflag:s8] =	dma.local [spmem:s19], $0x2780  }
0xe5: {  	_ =	swait.ge [sflag:s20], $0x2780  }
0xe6: {  	[sflag:s20] =	ssyncset.done $0x0  }
0xe7: {  	p6 =	por $0x0, $0x0;
	[sflag:s20] =	ssyncadd.s32 $0xFFFFD880  }
.LBB2_8:
0xe8: {  	s0 =	sld [smem:$0x7FD];
	_ =	sdelay $0x2  }
0xe9: {  	p3 =	seq.s32 s0, $0x1  }
.Ltmp6:
0xea: {  	_ = 	snop;
	(pc) =	sbr.rel @p3 .LBB2_9-.Ltmp6, $2  }
0xeb: {  	_ =	sdelay $0x2  }
0xec: {  	p6 =	por p1, p1  }
.LBB2_7:
0xed: {  	s0 =	rddreg [dreg:$0x4]  }
0xee: {  	s2 =	rddreg [dreg:$0xc];
	s0 =	sshrl.u32 @p4 s0, $0x3  }
0xef: {  	[hbm:s2], [sflag:s8] =	dma.local @p4 [spmem:s0], $0x2780  }
.Ltmp7:
0xf0: {  	_ = 	snop;
	(pc) =	sbr.rel .LBB2_10-.Ltmp7, $4  }
0xf1: {  	s0 =	simm.s32 @p4 $0x3  }
0xf2: {  	_ =	swait.ge @p4 [sflag:s0], $0x2780  }
0xf3: {  	[sflag:s0] =	ssyncset.done @p4 $0x0  }
0xf4: {  	[sflag:s0] =	ssyncadd.s32 @p4 $0xFFFFD880  }
.LBB2_11:
0xf5: {  	_ =	sfence.sel $0x180000  }
0xf6: {  	[bflag:$0x0] =	sbarrier.arrive $0xFFFF  }
0xf7: {  	_ =	strace $0x9000004A  }
0xf8: {  	s0 =	stileid.u32;
	[bflag:$0x2] =	sbarrier.arrive $0xFFFF  }
0xf9: {  	p0 =	sne.s32 s0, $0x0;
	s0 =	rddreg [dreg:$0x3]  }
0xfa: {  	s0 =	sadd.s32 @!p0 $0x100000, s0  }
0xfb: {  	[sflag:s0] =	ssyncadd.tile.s32 @!p0 $0x1;
	_ =	shalt  }
.Lfunc_end2:
_tile_overlayer_lowered:
.L_overlay_start_2:
0xfc: {  	(tag) =	ssettag $0x2  }
0xfd: {  	s0 =	rddreg [dreg:$0x0];
	s2 =	stileid.u32  }
0xfe: {  	s1 =	rddreg [dreg:$0x1];
	p0 =	sne.s32 s2, $0x0  }
0xff: {  	s3 =	rddreg [dreg:$0x2];
	[bflag:$0x3] =	sbarrier.arrive $0xFFFF;
	s2 =	simm.s32 @!p0 $0x1C03  }
0x100: {  	[timem:s3], [sflag:s2] =	dma.local @!p0 [hbm:s0], s1  }
0x101: {  	s0 =	simm.s32 @!p0 $0x3  }
0x102: {  	_ =	swait.ge @!p0 [sflag:s0], s1  }
0x103: {  	s1 =	ssub.s32 @!p0 $0x0, s1;
	[sflag:s0] =	ssyncset.done @!p0 $0x0  }
0x104: {  	[sflag:s0] =	ssyncadd.s32 @!p0 s1  }
0x105: {  	[bflag:$0x3] =	sbarrier.arrive $0xFFFF  }
0x106: {  	_ =	shalt  }

// kernel: kernel.8.cloned.1.call-start
scs
__scs_entry_jumppad:
0x0: {  	(pc) =	sbr.rel $0x88, $3  }
0x1: {  	(tag) =	ssettag $0x0;
	lr =	simm.s32 $0x1  }
0x2: {  	[smem:$0x3F99] =	sst lr;
	_ =	strace $0xD0000000  }
0x3: {  	_ = 	snop  }
0x4: {  	_ = 	snop  }
0x5: {  	_ = 	snop  }
0x6: {  	_ = 	snop  }
0x7: {  	_ = 	snop  }
__scs_overlays_trampoline_lowered:
0x8: {  	[smem:$0x3FA8] =	sst s0  }
0x9: {  	[smem:$0x3FA9] =	sst s1  }
0xa: {  	[smem:$0x3FAA] =	sst s2  }
0xb: {  	[smem:$0x3FAB] =	sst s3  }
0xc: {  	[smem:$0x3FAC] =	sst s4  }
0xd: {  	[smem:$0x3FAD] =	sst s5  }
0xe: {  	[smem:$0x3FAE] =	sst s6  }
0xf: {  	[smem:$0x3FAF] =	sst s7  }
0x10: {  	[smem:$0x3FB0] =	sst s8  }
0x11: {  	[smem:$0x3FB1] =	sst s9;
	s0 =	simm.s32 @!p0 $0x0  }
0x12: {  	s1 =	sld [smem:$0x3F97];
	s0 =	simm.s32 @p0 $0x1  }
0x13: {  	[smem:$0x3FB2] =	sst s0;
	s0 =	simm.s32 @!p1 $0x0  }
0x14: {  	s2 =	sld [smem:$0x3F96];
	s0 =	simm.s32 @p1 $0x1  }
0x15: {  	[smem:$0x3FB3] =	sst s0;
	s0 =	simm.s32 @!p2 $0x0  }
0x16: {  	s3 =	sld [smem:$0x3FDB];
	s0 =	simm.s32 @p2 $0x1  }
0x17: {  	s4 =	simm.s32 $0x1BF5;
	[smem:$0x3FB5] =	sst s0  }
0x18: {  	s0 =	sld [smem:$0x3F98];
	_ =	swait.ge [sflag:s4], $0x0  }
0x19: {  	s7 =	sld [smem:$0x3F99]  }
0x1a: {  	s8 =	sadd.s32 $0xFFFFE003, lr  }
0x1b: {  	s9 =	sadd.s32 $0xFFFFFEF7, lr;
	s5 =	simm.s32 $0xFFFFFFFF;
	p2 =	slt.u32 s8, $0xFFFFF086  }
0x1c: {  	p1 =	slt.u32 s9, $0xF7A;
	s5 =	simm.s32 @!p2 $0x0  }
0x1d: {  	s5 =	simm.s32 @p1 $0x1;
	p0 =	seq.s32 s7, s2  }
0x1e: {  	s7 =	smul.u32 @!p0 $0xF7A, s2;
	p2 =	seq.s32 @!p0 s5, $0x0  }
0x1f: {  	s9 =	smul.u32 $0xF7A, s1;
	s8 =	simm.s32 @!p0 $0x1BF5;
	p2 =	por !p2, p0  }
0x20: {  	[sflag:s8] =	ssyncset.s32 @!p0 $0xFFFFF086;
	s6 =	sadd.s32 @!p0 s3, s7;
	s7 =	simm.s32 @!p0 $0x108  }
0x21: {  	s3 =	sadd.s32 s3, s9;
	s6 =	sadd.s32 @!p0 $0x88, s6;
	s7 =	simm.s32 @p2 $0x1082  }
0x22: {  	[simem:s7], [sflag:s8] =	dma.local @!p0 [hbm:s6], $0xF7A  }
0x23: {  	s9 =	sor.u32 $0xD0000000, s2;
	s6 =	simm.s32 $0x108;
	_ =	swait.ge @!p0 [sflag:s8], $0x0  }
0x24: {  	s3 =	sadd.s32 $0x88, s3;
	s6 =	simm.s32 @!p1 $0x1082;
	[sflag:s4] =	ssyncset.s32 $0xFFFFF086  }
0x25: {  	[simem:s6], [sflag:s4] =	dma.local [hbm:s3], $0xF7A  }
0x26: {  	[smem:$0x3F99] =	sst s1;
	(tag) =	ssettag s2;
	_ =	strace s9  }
0x27: {  	s1 =	sld [smem:$0x3FA9]  }
0x28: {  	s2 =	sld [smem:$0x3FAA]  }
0x29: {  	s4 =	sld [smem:$0x3FAC]  }
0x2a: {  	p0 =	seq.s32 s5, $0x0;
	s5 =	sld [smem:$0x3FAD]  }
0x2b: {  	s6 =	sld [smem:$0x3FAE]  }
0x2c: {  	s7 =	sld [smem:$0x3FAF]  }
0x2d: {  	s3 =	simm.s32 $0x108;
	s8 =	sld [smem:$0x3FB0]  }
0x2e: {  	s3 =	simm.s32 @!p0 $0x1082;
	s9 =	sld [smem:$0x3FB1]  }
0x2f: {  	lr =	sadd.s32 s0, s3;
	s0 =	sld [smem:$0x3FA8]  }
0x30: {  	s3 =	sld [smem:$0x3FAB]  }
0x31: {  	[smem:$0x3FB4] =	sst s10  }
0x32: {  	s10 =	sld [smem:$0x3FB2];
	_ =	sdelay $0x3  }
0x33: {  	p0 =	seq.s32 s10, $0x1;
	s10 =	sld [smem:$0x3FB4];
	_ =	sdelay $0x3  }
0x34: {  	[smem:$0x3FB4] =	sst s10  }
0x35: {  	s10 =	sld [smem:$0x3FB3];
	_ =	sdelay $0x3  }
0x36: {  	p1 =	seq.s32 s10, $0x1;
	s10 =	sld [smem:$0x3FB4];
	_ =	sdelay $0x3  }
0x37: {  	[smem:$0x3FB4] =	sst s10  }
0x38: {  	s10 =	sld [smem:$0x3FB5]  }
0x39: {  	_ = 	snop;
	(pc) =	sbr.ind lr, $3  }
0x3a: {  	_ = 	snop  }
0x3b: {  	_ = 	snop  }
0x3c: {  	p2 =	seq.s32 s10, $0x1;
	s10 =	sld [smem:$0x3FB4]  }
0x3d: {  	_ =	shalt  }
0x3e: {  	_ =	shalt  }
0x3f: {  	_ =	shalt  }
0x40: {  	_ =	shalt  }
0x41: {  	_ =	shalt  }
0x42: {  	_ =	shalt  }
0x43: {  	_ =	shalt  }
0x44: {  	_ =	shalt  }
0x45: {  	_ =	shalt  }
0x46: {  	_ =	shalt  }
0x47: {  	_ =	shalt  }
0x48: {  	_ =	shalt  }
0x49: {  	_ =	shalt  }
0x4a: {  	_ =	shalt  }
0x4b: {  	_ =	shalt  }
0x4c: {  	_ =	shalt  }
0x4d: {  	_ =	shalt  }
0x4e: {  	_ =	shalt  }
0x4f: {  	_ =	shalt  }
0x50: {  	_ =	shalt  }
0x51: {  	_ =	shalt  }
0x52: {  	_ =	shalt  }
0x53: {  	_ =	shalt  }
0x54: {  	_ =	shalt  }
0x55: {  	_ =	shalt  }
0x56: {  	_ =	shalt  }
0x57: {  	_ =	shalt  }
0x58: {  	_ =	shalt  }
0x59: {  	_ =	shalt  }
0x5a: {  	_ =	shalt  }
0x5b: {  	_ =	shalt  }
0x5c: {  	_ =	shalt  }
0x5d: {  	_ =	shalt  }
0x5e: {  	_ =	shalt  }
0x5f: {  	_ =	shalt  }
0x60: {  	_ =	shalt  }
0x61: {  	_ =	shalt  }
0x62: {  	_ =	shalt  }
0x63: {  	_ =	shalt  }
0x64: {  	_ =	shalt  }
0x65: {  	_ =	shalt  }
0x66: {  	_ =	shalt  }
0x67: {  	_ =	shalt  }
0x68: {  	_ =	shalt  }
0x69: {  	_ =	shalt  }
0x6a: {  	_ =	shalt  }
0x6b: {  	_ =	shalt  }
0x6c: {  	_ =	shalt  }
0x6d: {  	_ =	shalt  }
0x6e: {  	_ =	shalt  }
0x6f: {  	_ =	shalt  }
0x70: {  	_ =	shalt  }
0x71: {  	_ =	shalt  }
0x72: {  	_ =	shalt  }
0x73: {  	_ =	shalt  }
0x74: {  	_ =	shalt  }
0x75: {  	_ =	shalt  }
0x76: {  	_ =	shalt  }
0x77: {  	_ =	shalt  }
0x78: {  	_ =	shalt  }
0x79: {  	_ =	shalt  }
0x7a: {  	_ =	shalt  }
0x7b: {  	_ =	shalt  }
0x7c: {  	_ =	shalt  }
0x7d: {  	_ =	shalt  }
0x7e: {  	_ =	shalt  }
0x7f: {  	_ =	shalt  }
0x80: {  	_ =	shalt  }
0x81: {  	_ =	shalt  }
0x82: {  	_ =	shalt  }
0x83: {  	_ =	shalt  }
0x84: {  	_ =	shalt  }
0x85: {  	_ =	shalt  }
0x86: {  	_ =	shalt  }
0x87: {  	_ =	shalt  }
.Lfunc_end0:
.L_simem_size_0:
called_computation_lowered:
.L_overlay_start_0:
0x88: {  	s2 =	sld [smem:$0x3FD9]  }
0x89: {  	s3 =	sld [smem:$0x3FFE];
	_ =	sdelay $0x1  }
0x8a: {  	s1 =	srdreg.scid  }
0x8b: {  	s0 =	sand.u32 $0x1, s1  }
0x8c: {  	s16 =	sshll.u32 s0, $0xA;
	s2 =	sadd.s32 s3, s2  }
0x8d: {  	s2 =	sadd.s32 s2, s16  }
0x8e: {  	[smem:$0x3FC0] =	sst s2  }
0x8f: {  	_ = 	snop  }
0x90: {  	(tm) =	ssettm $0x1  }
0x91: {  	s17 =	sld [smem:$0x3FFB];
	_ =	sdelay $0x3  }
0x92: {  	_ =	strace s17  }
0x93: {  	s2 =	sld [smem:$0x3FFC];
	_ =	sdelay $0x3  }
0x94: {  	_ =	strace s2  }
0x95: {  	s2 =	sld [smem:$0x3FFD];
	_ =	sdelay $0x3  }
0x96: {  	_ =	strace s2  }
0x97: {  	_ =	strace $0x8FFFFFFF  }
0x98: {  	s18 =	sld [smem:$0x3FDB];
	_ =	sdelay $0x1  }
0x99: {  	s19 =	simm.s32 $_scs_section_size  }
0x9a: {  	s4 =	simm.s32 $_size__tile_overlayer_lowered;
	s5 =	simm.s32 $_tile_overlayer_lowered  }
0x9b: {  	s22 =	simm.s32 $0x1BFF;
	s21 =	sshll.u32 s5, $0x1;
	s2 =	sadd.s32 s19, s18  }
0x9c: {  	s6 =	simm.s32 $0x0;
	s20 =	sshll.u32 s4, $0x1;
	s4 =	sadd.s32 s21, s2  }
0x9d: {  	[timem:s6], [sflag:s22] =	dma.local [hbm:s4], s20  }
0x9e: {  	_ =	swait.ge [sflag:s22], s20  }
0x9f: {  	s3 =	ssub.s32 $0x0, s20;
	[sflag:s22] =	ssyncset.done $0x0  }
0xa0: {  	[sflag:s22] =	ssyncadd.s32 s3;
	_ =	sdelay $0x1  }
0xa1: {  	s23 =	simm.s32 $0x1B8B  }
0xa2: {  	_ =	swait.ge [sflag:s23], $0x1  }
0xa3: {  	[sflag:s23] =	ssyncset.done $0x0  }
0xa4: {  	s25 =	simm.s32 $0x1B8E;
	s24 =	sld [smem:$0x3FFE];
	[sflag:s23] =	ssyncadd.s32 $0xFFFFFFFF  }
0xa5: {  	s26 =	simm.s32 $execute0_lowered;
	[smem:$0x3FD2] =	sst s25  }
0xa6: {  	s4 =	sshll.u32 s26, $0x1;
	_ =	strace $0x80000046;
	[dreg:$0x1] =	wrdreg $0xFFFFFFFF  }
0xa7: {  	s28 =	simm.s32 $_size_execute0_lowered;
	s2 =	sadd.s32 s2, s4;
	[dreg:$0x0] =	wrdreg $0x0  }
0xa8: {  	s4 =	sshll.u32 s28, $0x1;
	[dreg:$0x2] =	wrdreg s2  }
0xa9: {  	[dreg:$0x3] =	wrdreg s4  }
0xaa: {  	[dreg:$0x4] =	wrdreg $0xC0  }
0xab: {  	_ =	task [dreg:s6], $0x5FFFF  }
0xac: {  	[dreg:$0x1] =	wrdreg $0xFFFFFFFF  }
0xad: {  	[dreg:$0x0] =	wrdreg $0x60  }
0xae: {  	[dreg:$0x2] =	wrdreg s24  }
0xaf: {  	[dreg:$0x3] =	wrdreg $0x0  }
0xb0: {  	[dreg:$0x4] =	wrdreg $0x9  }
0xb1: {  	_ =	task.clear_ibuf [dreg:s6], $0x5FFFF;
	_ =	strace $0x90000046  }
0xb2: {  	s29 =	simm.s32 $0x9;
	_ =	strace $0x80000048  }
0xb3: {  	_ =	swait.ge [sflag:s29], $0x1  }
0xb4: {  	[sflag:s29] =	ssyncadd.s32 $0xFFFFFFFF  }
0xb5: {  	_ =	strace $0x90000048  }
0xb6: {  	_ =	sfence  }
0xb7: {  	s30 =	sld [smem:$0x0];
	_ =	sdelay $0x2  }
0xb8: {  	s31 =	sshll.u32 s1, $0xD;
	s1 =	sshrl.u32 s1, $0x2  }
0xb9: {  	s3 =	sand.u32 $0x4000, s31;
	s1 =	sadd.s32 s1, s30  }
0xba: {  	s0 =	sor.u32 s3, s0;
	s1 =	sshll.u32 s1, $0x11  }
0xbb: {  	s0 =	sor.u32 s1, s0  }
0xbc: {  	s0 =	sadd.s32 $0x8F2B, s0  }
0xbd: {  	[sflag:s0] =	ssyncadd.remote.s32 $0x1  }
0xbe: {  	_ =	sfence.sel $0xFFFF  }
0xbf: {  	[dreg:$0x0] =	wrdreg $0xFFFFFFFF;
	(pc) =	sbr.abs _section_cstart, $3  }
0xc0: {  	[dreg:$0x1] =	wrdreg $0xFFFFFFFF  }
0xc1: {  	_ =	task.clear_ibuf [dreg:s6], $0x2FFFF;
	_ =	strace $0x9FFFFFFF  }
0xc2: {  	(tm) =	ssettm $0x7FFFFFFF  }
0xc3: {  	_ =	shalt  }
tec
execute0_lowered:
.L_overlay_start_1:
0x0: {  	(tag) =	ssettag $0x1  }
0x1: {  	s0 =	rddreg [dreg:$0x0]  }
0x2: {  	s1 =	rddreg [dreg:$0x1];
	s3 =	simm.s32 $0x0;
	s13 =	stileid.u32  }
0x3: {  	s6 =	srdreg.scid;
	s20 =	simm.s32 $0x3;
	s28 =	simm.s32 $0x1A400  }
0x4: {  	s29 =	simm.s32 $0x16300;
	s30 =	simm.s32 $0x16380;
	s31 =	simm.s32 $0x0  }
0x5: {  	[smem:$0x7FF] =	sst s3;
	s4 =	sadd.s32 $0x2B200, s0;
	s2 =	smul.u32 $0x2780, s13  }
0x6: {  	s5 =	sadd.s32 $0x4000, s0;
	s6 =	sand.u32 $0x1, s6;
	s7 =	smul.u32 $0x4F000, s13  }
0x7: {  	s9 =	sadd.s32 $0x52400, s0;
	s10 =	sadd.s32 $0x57400, s0;
	s21 =	smul.u32 $0x500, s13  }
0x8: {  	s23 =	sshll.u32 s13, $0x6;
	s12 =	smul.u32 $0x2800, s13;
	p4 =	sne.s32 s13, $0xF  }
0x9: {  	p1 =	seq.s32 s13, $0xF;
	s13 =	sadd.s32 $0x128400, s1;
	s25 =	sadd.s32 $0xA8C80, s0  }
0xa: {  	_ =	strace $0x80000047;
	s8 =	ssub.s32 $0x2, s6;
	p2 =	seq.s32 s6, $0x0  }
0xb: {  	p0 =	seq.s32 s6, $0x1;
	[dreg:$0x9] =	wrdreg s25;
	s25 =	simm.s32 $0x16400  }
0xc: {  	s2 =	sadd.s32 s2, s0;
	s11 =	sshrl.u32 s8, $0x1;
	s7 =	sshrl.u32 s7, $0x2  }
0xd: {  	s15 =	sadd.s32 s9, s21;
	s24 =	sshrl.u32 s12, $0x3;
	p3 =	por !p2, !p4  }
0xe: {  	p5 =	por !p2, !p1;
	p4 =	por !p4, !p0;
	s0 =	sadd.s32 $0xCFE80, s0  }
0xf: {  	s11 =	ssub.s32 s8, s11;
	s14 =	sadd.s32 s7, s1;
	s22 =	sadd.s32 $0x5C400, s2  }
0x10: {  	s8 =	sor.u32 $0x1C03, s23;
	[dreg:$0x5] =	wrdreg s15;
	s7 =	sadd.s32 s10, s21  }
0x11: {  	p2 =	por !p3, !p3;
	p3 =	por !p5, !p5;
	[dreg:$0xc] =	wrdreg s0  }
0x12: {  	s26 =	sadd.s32 $0x83C00, s2;
	p4 =	por !p4, !p4;
	[dreg:$0x4] =	wrdreg s22  }
0x13: {  	s2 =	sadd.s32 $0xAAE00, s2;
	p5 =	sne.s32 s6, $0x0;
	[dreg:$0x6] =	wrdreg s7  }
0x14: {  	s23 =	simm.s32 $0x1;
	s7 =	sadd.s32 $0x280, s24;
	[dreg:$0xa] =	wrdreg s26  }
.Ltmp0:
0x15: {  	[dreg:$0xb] =	wrdreg s2;
	s18 =	smax.u32 s11, $0x1;
	(pc) =	sbr.rel .LBB2_1-.Ltmp0, $4  }
0x16: {  	[dreg:$0x3] =	wrdreg s14;
	s9 =	sadd.s32 s9, s7;
	s7 =	sadd.s32 s10, s7  }
0x17: {  	s19 =	sshrl.u32 s14, $0x3;
	[dreg:$0x8] =	wrdreg s7;
	s7 =	simm.s32 @!p3 $0x0  }
0x18: {  	s22 =	simm.s32 $0x15000;
	[dreg:$0x7] =	wrdreg s9;
	s7 =	simm.s32 @p3 $0x1  }
0x19: {  	s24 =	simm.s32 $0x80;
	s26 =	simm.s32 $0x2;
	[smem:$0x7FD] =	sst s7  }
.LBB2_9:
0x1a: {  	s0 =	sshrl.u32 s13, $0x3;
	s2 =	rddreg [dreg:$0x9]  }
0x1b: {  	[hbm:s2], [sflag:s8] =	dma.local [spmem:s0], $0x2080  }
0x1c: {  	_ =	swait.ge [sflag:s20], $0x2080  }
0x1d: {  	[sflag:s20] =	ssyncset.done $0x0  }
0x1e: {  	p6 =	por $0x1, $0x1;
	[sflag:s20] =	ssyncadd.s32 $0xFFFFDF80  }
.LBB2_10:
0x1f: {  	p6 =	por !p6, !p0  }
0x20: {  	s31 =	sadd.s32 $0x1, s31;
	p6 =	por !p6, !p6  }
0x21: {  	s2 =	rddreg [dreg:$0xc];
	p3 =	sne.s32 s31, s18;
	s0 =	sshrl.u32 @p6 s13, $0x3  }
0x22: {  	[hbm:s2], [sflag:s8] =	dma.local @p6 [spmem:s0], $0x2080  }
.Ltmp1:
0x23: {  	_ = 	snop;
	(pc) =	sbr.rel @!p3 .LBB2_11-.Ltmp1, $4  }
0x24: {  	s0 =	simm.s32 @p6 $0x3  }
0x25: {  	_ =	swait.ge @p6 [sflag:s0], $0x2080  }
0x26: {  	[sflag:s0] =	ssyncset.done @p6 $0x0  }
0x27: {  	[sflag:s0] =	ssyncadd.s32 @p6 $0xFFFFDF80  }
.LBB2_1:
0x28: {  	s0 =	rddreg [dreg:$0x4]  }
0x29: {  	[spmem:s19], [sflag:s8] =	dma.local [hbm:s0], $0x2780  }
0x2a: {  	_ =	swait.ge [sflag:s20], $0x2780  }
0x2b: {  	[sflag:s20] =	ssyncset.done $0x0  }
0x2c: {  	[sflag:s20] =	ssyncadd.s32 $0xFFFFD880  }
0x2d: {  	[bflag:$0x0] =	sbarrier.arrive $0xFFFF  }
0x2e: {  	s2 =	simm.s32 $0x13C00;
	s16 =	rddreg [dreg:$0x5]  }
0x2f: {  	[tilespmem:s2], [sflag:$0x3] =	stream.linear.gather [hbm4b:s16+s3], $0x1400, $0x38;
	[tilespmem:$0x1E400] =	vst v63  }
0x30: {  	_ =	swait.ge [sflag:s20], $0x1400  }
0x31: {  	[sflag:s20] =	ssyncset.done $0x0  }
0x32: {  	s17 =	rddreg [dreg:$0x6];
	[sflag:s20] =	ssyncadd.s32 $0xFFFFEC00  }
0x33: {  	[tilespmem:s22], [sflag:$0x3] =	stream.linear.gather [hbm4b:s17+s3], $0x1400, $0x38;
	[tilespmem:$0x1E400] =	vst v63  }
0x34: {  	_ =	swait.ge [sflag:s20], $0x1400  }
0x35: {  	s15 =	simm.s32 @!p5 $0x16400;
	[sflag:s20] =	ssyncset.done $0x0  }
0x36: {  	s0 =	simm.s32 @!p5 $0x13C00;
	s2 =	simm.s32 @!p5 $0x80;
	[sflag:s20] =	ssyncadd.s32 $0xFFFFEC00  }
0x37: {  	[tilespmem:s15], [sflag:$0x1] =	stream.indirect.gather @!p5 [hbm4b:s4+s2], $0x80, s0, s2, $0xb8;
	[tilespmem:$0x1E400] =	vst v63  }
0x38: {  	s6 =	simm.s32 @p0 $0x80;
	s16 =	simm.s32 @p0 $0x16400;
	s0 =	simm.s32 @p0 $0x13C00  }
0x39: {  	[tilespmem:s16], [sflag:$0x1] =	stream.indirect.gather @p0 [hbm4b:s5+s6], $0x80, s0, s6, $0xb8;
	[tilespmem:$0x1E400] =	vst v63  }
0x3a: {  	s14 =	simm.s32 @!p5 $0x1A400;
	s0 =	simm.s32 @!p5 $0x13C80  }
0x3b: {  	[tilespmem:s14], [sflag:$0x2] =	stream.indirect.gather @!p5 [hbm4b:s4+s2], $0x80, s0, s2, $0xb8;
	[tilespmem:$0x1E400] =	vst v63  }
0x3c: {  	s7 =	simm.s32 @p0 $0x13C80;
	s0 =	simm.s32 @p0 $0x1A400  }
0x3d: {  	[tilespmem:s0], [sflag:$0x2] =	stream.indirect.gather @p0 [hbm4b:s5+s6], $0x80, s7, s6, $0xb8;
	[tilespmem:$0x1E400] =	vst v63  }
0x3e: {  	_ =	swait.ge [sflag:s23], $0x4000  }
0x3f: {  	[sflag:s23] =	ssyncset.done $0x0  }
0x40: {  	s21 =	simm.s32 $0x15000;
	[sflag:s23] =	ssyncadd.s32 $0xFFFFC000  }
0x41: {  	[spmem:s1] =	stream.indirect.scatter.add.f32 [tilespmem:s25], [sflag:$0x3], $0x80, s21, s24, $0xb8;
	[tilespmem:$0x1E400] =	vst v63  }
0x42: {  	_ =	swait.ge [sflag:s20], $0x4000  }
0x43: {  	[sflag:s20] =	ssyncset.done $0x0  }
0x44: {  	s7 =	simm.s32 @!p5 $0x13D00;
	[sflag:s20] =	ssyncadd.s32 $0xFFFFC000  }
0x45: {  	[tilespmem:s15], [sflag:$0x1] =	stream.indirect.gather @!p5 [hbm4b:s4+s2], $0x80, s7, s2, $0xb8;
	[tilespmem:$0x1E400] =	vst v63  }
0x46: {  	s7 =	simm.s32 @p0 $0x13D00  }
0x47: {  	[tilespmem:s16], [sflag:$0x1] =	stream.indirect.gather @p0 [hbm4b:s5+s6], $0x80, s7, s6, $0xb8;
	[tilespmem:$0x1E400] =	vst v63  }
0x48: {  	_ =	swait.ge [sflag:s26], $0x4000  }
0x49: {  	[sflag:s26] =	ssyncset.done $0x0  }
0x4a: {  	s9 =	simm.s32 $0x15080;
	s11 =	simm.s32 @!p5 $0x100;
	[sflag:s26] =	ssyncadd.s32 $0xFFFFC000  }
0x4b: {  	[spmem:s1] =	stream.indirect.scatter.add.f32 [tilespmem:s28], [sflag:$0x3], $0x80, s9, s24, $0xb8;
	[tilespmem:$0x1E400] =	vst v63  }
0x4c: {  	s10 =	simm.s32 @p0 $0x100;
	s12 =	simm.s32 @!p5 $0x1A400;
	_ =	swait.ge [sflag:s20], $0x4000  }
0x4d: {  	s7 =	simm.s32 $0x400;
	s9 =	simm.s32 $0x800;
	[sflag:s20] =	ssyncset.done $0x0  }
.LBB2_2:
0x4e: {  	s21 =	sadd.s32 @!p5 $0x13C80, s11;
	[sflag:s20] =	ssyncadd.s32 $0xFFFFC000;
	s17 =	smov.u32 s9  }
0x4f: {  	[tilespmem:s12], [sflag:$0x2] =	stream.indirect.gather @!p5 [hbm4b:s4+s2], $0x80, s21, s2, $0xb8;
	[tilespmem:$0x1E400] =	vst v63  }
0x50: {  	s9 =	sadd.s32 $0x400, s9;
	s12 =	sadd.s32 @p0 $0x13C80, s10  }
0x51: {  	[tilespmem:s0], [sflag:$0x2] =	stream.indirect.gather @p0 [hbm4b:s5+s6], $0x80, s12, s6, $0xb8;
	[tilespmem:$0x1E400] =	vst v63  }
0x52: {  	p6 =	sne.s32 s9, $0x4C00;
	s12 =	smov.u32 s14;
	_ =	swait.ge [sflag:s23], $0x4000  }
0x53: {  	s21 =	sshra.s32 s7, $0x2;
	s7 =	smov.u32 s17;
	[sflag:s23] =	ssyncset.done $0x0  }
0x54: {  	s17 =	sadd.s32 $0x15000, s21;
	[sflag:s23] =	ssyncadd.s32 $0xFFFFC000  }
0x55: {  	[spmem:s1] =	stream.indirect.scatter.add.f32 [tilespmem:s25], [sflag:$0x3], $0x80, s17, s24, $0xb8;
	[tilespmem:$0x1E400] =	vst v63  }
0x56: {  	_ =	swait.ge [sflag:s20], $0x4000  }
0x57: {  	[sflag:s20] =	ssyncset.done $0x0  }
0x58: {  	s11 =	sadd.s32 @!p5 $0x13D00, s11;
	[sflag:s20] =	ssyncadd.s32 $0xFFFFC000  }
0x59: {  	[tilespmem:s15], [sflag:$0x1] =	stream.indirect.gather @!p5 [hbm4b:s4+s2], $0x80, s11, s2, $0xb8;
	[tilespmem:$0x1E400] =	vst v63  }
0x5a: {  	s10 =	sadd.s32 @p0 $0x13D00, s10  }
0x5b: {  	[tilespmem:s16], [sflag:$0x1] =	stream.indirect.gather @p0 [hbm4b:s5+s6], $0x80, s10, s6, $0xb8;
	[tilespmem:$0x1E400] =	vst v63  }
0x5c: {  	_ =	swait.ge [sflag:s26], $0x4000  }
.Ltmp2:
0x5d: {  	[sflag:s26] =	ssyncset.done $0x0;
	(pc) =	sbr.rel @p6 .LBB2_2-.Ltmp2, $4  }
0x5e: {  	s10 =	sadd.s32 $0x15080, s21;
	[sflag:s26] =	ssyncadd.s32 $0xFFFFC000  }
0x5f: {  	[spmem:s1] =	stream.indirect.scatter.add.f32 [tilespmem:s28], [sflag:$0x3], $0x80, s10, s24, $0xb8;
	[tilespmem:$0x1E400] =	vst v63  }
0x60: {  	_ =	swait.ge [sflag:s20], $0x4000  }
0x61: {  	s11 =	sshra.s32 @!p5 s7, $0x2;
	s10 =	sshra.s32 @p0 s7, $0x2;
	[sflag:s20] =	ssyncset.done $0x0  }
0x62: {  	s0 =	sadd.s32 @!p5 $0x13C80, s11;
	[sflag:s20] =	ssyncadd.s32 $0xFFFFC000  }
0x63: {  	[tilespmem:s12], [sflag:$0x2] =	stream.indirect.gather @!p5 [hbm4b:s4+s2], $0x80, s0, s2, $0xb8;
	[tilespmem:$0x1E400] =	vst v63  }
0x64: {  	s9 =	sadd.s32 @p0 $0x13C80, s10;
	s0 =	simm.s32 @p0 $0x1A400  }
0x65: {  	[tilespmem:s0], [sflag:$0x2] =	stream.indirect.gather @p0 [hbm4b:s5+s6], $0x80, s9, s6, $0xb8;
	[tilespmem:$0x1E400] =	vst v63  }
0x66: {  	_ =	swait.ge [sflag:s23], $0x4000  }
0x67: {  	s7 =	sshra.s32 s7, $0x2;
	[sflag:s23] =	ssyncset.done $0x0  }
0x68: {  	s21 =	sadd.s32 $0x15000, s7;
	[sflag:s23] =	ssyncadd.s32 $0xFFFFC000  }
0x69: {  	[spmem:s1] =	stream.indirect.scatter.add.f32 [tilespmem:s25], [sflag:$0x3], $0x80, s21, s24, $0xb8;
	[tilespmem:$0x1E400] =	vst v63  }
0x6a: {  	_ =	swait.ge [sflag:s20], $0x4000  }
0x6b: {  	[sflag:s20] =	ssyncset.done $0x0  }
0x6c: {  	s9 =	sadd.s32 @!p5 $0x13D00, s11;
	[sflag:s20] =	ssyncadd.s32 $0xFFFFC000  }
0x6d: {  	[tilespmem:s15], [sflag:$0x1] =	stream.indirect.gather @!p5 [hbm4b:s4+s2], $0x80, s9, s2, $0xb8;
	[tilespmem:$0x1E400] =	vst v63  }
0x6e: {  	s2 =	sadd.s32 @p0 $0x13D00, s10  }
0x6f: {  	[tilespmem:s16], [sflag:$0x1] =	stream.indirect.gather @p0 [hbm4b:s5+s6], $0x80, s2, s6, $0xb8;
	[tilespmem:$0x1E400] =	vst v63  }
0x70: {  	_ =	swait.ge [sflag:s26], $0x4000  }
0x71: {  	[sflag:s26] =	ssyncset.done $0x0  }
0x72: {  	s11 =	sadd.s32 $0x15080, s7;
	[sflag:s26] =	ssyncadd.s32 $0xFFFFC000  }
0x73: {  	[spmem:s1] =	stream.indirect.scatter.add.f32 [tilespmem:s28], [sflag:$0x3], $0x80, s11, s24, $0xb8;
	[tilespmem:$0x1E400] =	vst v63  }
0x74: {  	_ =	swait.ge [sflag:s20], $0x4000  }
0x75: {  	[sflag:s20] =	ssyncset.done $0x0  }
0x76: {  	s2 =	simm.s32 @!p5 $0x80;
	s6 =	simm.s32 @!p5 $0x14F80;
	[sflag:s20] =	ssyncadd.s32 $0xFFFFC000  }
0x77: {  	[tilespmem:s14], [sflag:$0x2] =	stream.indirect.gather @!p5 [hbm4b:s4+s2], $0x80, s6, s2, $0xb8;
	[tilespmem:$0x1E400] =	vst v63  }
0x78: {  	s14 =	simm.s32 @p0 $0x80;
	s6 =	simm.s32 @p0 $0x14F80  }
0x79: {  	[tilespmem:s0], [sflag:$0x2] =	stream.indirect.gather @p0 [hbm4b:s5+s14], $0x80, s6, s14, $0xb8;
	[tilespmem:$0x1E400] =	vst v63  }
0x7a: {  	_ =	swait.ge [sflag:s23], $0x4000  }
0x7b: {  	[sflag:s23] =	ssyncset.done $0x0  }
0x7c: {  	[sflag:s23] =	ssyncadd.s32 $0xFFFFC000  }
0x7d: {  	[spmem:s1] =	stream.indirect.scatter.add.f32 [tilespmem:s25], [sflag:$0x3], $0x80, s29, s24, $0xb8;
	[tilespmem:$0x1E400] =	vst v63  }
0x7e: {  	_ =	swait.ge [sflag:s20], $0x4000  }
0x7f: {  	[sflag:s20] =	ssyncset.done $0x0  }
0x80: {  	[sflag:s20] =	ssyncadd.s32 $0xFFFFC000  }
0x81: {  	_ =	swait.ge [sflag:s26], $0x4000  }
0x82: {  	[sflag:s26] =	ssyncset.done $0x0  }
0x83: {  	[sflag:s26] =	ssyncadd.s32 $0xFFFFC000  }
0x84: {  	[spmem:s1] =	stream.indirect.scatter.add.f32 [tilespmem:s28], [sflag:$0x3], $0x80, s30, s24, $0xb8;
	[tilespmem:$0x1E400] =	vst v63  }
0x85: {  	_ =	swait.ge [sflag:s20], $0x4000  }
0x86: {  	[sflag:s20] =	ssyncset.done $0x0  }
0x87: {  	s15 =	simm.s32 $0x13C00;
	s12 =	rddreg [dreg:$0x7];
	[sflag:s20] =	ssyncadd.s32 $0xFFFFC000  }
0x88: {  	[tilespmem:s15], [sflag:$0x3] =	stream.linear.gather [hbm4b:s12+s3], $0x1400, $0x38;
	[tilespmem:$0x1E400] =	vst v63  }
0x89: {  	_ =	swait.ge [sflag:s20], $0x1400  }
0x8a: {  	[sflag:s20] =	ssyncset.done $0x0  }
0x8b: {  	s16 =	rddreg [dreg:$0x8];
	[sflag:s20] =	ssyncadd.s32 $0xFFFFEC00  }
0x8c: {  	[tilespmem:s22], [sflag:$0x3] =	stream.linear.gather [hbm4b:s16+s3], $0x1400, $0x38;
	[tilespmem:$0x1E400] =	vst v63  }
0x8d: {  	_ =	swait.ge [sflag:s20], $0x1400  }
0x8e: {  	[sflag:s20] =	ssyncset.done $0x0  }
0x8f: {  	s7 =	simm.s32 @!p5 $0x13C00;
	s6 =	simm.s32 @!p5 $0x16400;
	[sflag:s20] =	ssyncadd.s32 $0xFFFFEC00  }
0x90: {  	[tilespmem:s6], [sflag:$0x1] =	stream.indirect.gather @!p5 [hbm4b:s4+s2], $0x80, s7, s2, $0xb8;
	[tilespmem:$0x1E400] =	vst v63  }
0x91: {  	s16 =	simm.s32 @p0 $0x16400;
	s7 =	simm.s32 @p0 $0x13C00  }
0x92: {  	[tilespmem:s16], [sflag:$0x1] =	stream.indirect.gather @p0 [hbm4b:s5+s14], $0x80, s7, s14, $0xb8;
	[tilespmem:$0x1E400] =	vst v63  }
0x93: {  	s15 =	simm.s32 @!p5 $0x1A400;
	s7 =	simm.s32 @!p5 $0x13C80  }
0x94: {  	[tilespmem:s15], [sflag:$0x2] =	stream.indirect.gather @!p5 [hbm4b:s4+s2], $0x80, s7, s2, $0xb8;
	[tilespmem:$0x1E400] =	vst v63  }
0x95: {  	s7 =	simm.s32 @p0 $0x13C80  }
0x96: {  	[tilespmem:s0], [sflag:$0x2] =	stream.indirect.gather @p0 [hbm4b:s5+s14], $0x80, s7, s14, $0xb8;
	[tilespmem:$0x1E400] =	vst v63  }
0x97: {  	_ =	swait.ge [sflag:s23], $0x4000  }
0x98: {  	[sflag:s23] =	ssyncset.done $0x0  }
0x99: {  	s17 =	simm.s32 $0x15000;
	[sflag:s23] =	ssyncadd.s32 $0xFFFFC000  }
0x9a: {  	[spmem:s1] =	stream.indirect.scatter.add.f32 [tilespmem:s25], [sflag:$0x3], $0x80, s17, s24, $0xb8;
	[tilespmem:$0x1E400] =	vst v63  }
0x9b: {  	_ =	swait.ge [sflag:s20], $0x4000  }
0x9c: {  	[sflag:s20] =	ssyncset.done $0x0  }
0x9d: {  	s7 =	simm.s32 @!p5 $0x13D00;
	[sflag:s20] =	ssyncadd.s32 $0xFFFFC000  }
0x9e: {  	[tilespmem:s6], [sflag:$0x1] =	stream.indirect.gather @!p5 [hbm4b:s4+s2], $0x80, s7, s2, $0xb8;
	[tilespmem:$0x1E400] =	vst v63  }
0x9f: {  	s7 =	simm.s32 @p0 $0x13D00  }
0xa0: {  	[tilespmem:s16], [sflag:$0x1] =	stream.indirect.gather @p0 [hbm4b:s5+s14], $0x80, s7, s14, $0xb8;
	[tilespmem:$0x1E400] =	vst v63  }
0xa1: {  	_ =	swait.ge [sflag:s26], $0x4000  }
0xa2: {  	[sflag:s26] =	ssyncset.done $0x0  }
0xa3: {  	s21 =	simm.s32 $0x15080;
	s9 =	simm.s32 $0x800;
	[sflag:s26] =	ssyncadd.s32 $0xFFFFC000  }
0xa4: {  	[spmem:s1] =	stream.indirect.scatter.add.f32 [tilespmem:s28], [sflag:$0x3], $0x80, s21, s24, $0xb8;
	[tilespmem:$0x1E400] =	vst v63  }
0xa5: {  	s10 =	simm.s32 @p0 $0x100;
	s11 =	simm.s32 @!p5 $0x100;
	_ =	swait.ge [sflag:s20], $0x4000  }
0xa6: {  	s12 =	simm.s32 @!p5 $0x1A400;
	s7 =	simm.s32 $0x400;
	[sflag:s20] =	ssyncset.done $0x0  }
.LBB2_4:
0xa7: {  	s17 =	sadd.s32 @!p5 $0x13C80, s11;
	[sflag:s20] =	ssyncadd.s32 $0xFFFFC000;
	s21 =	smov.u32 s9  }
0xa8: {  	[tilespmem:s12], [sflag:$0x2] =	stream.indirect.gather @!p5 [hbm4b:s4+s2], $0x80, s17, s2, $0xb8;
	[tilespmem:$0x1E400] =	vst v63  }
0xa9: {  	s9 =	sadd.s32 $0x400, s9;
	s12 =	sadd.s32 @p0 $0x13C80, s10  }
0xaa: {  	[tilespmem:s0], [sflag:$0x2] =	stream.indirect.gather @p0 [hbm4b:s5+s14], $0x80, s12, s14, $0xb8;
	[tilespmem:$0x1E400] =	vst v63  }
0xab: {  	p6 =	sne.s32 s9, $0x4C00;
	s12 =	smov.u32 s15;
	_ =	swait.ge [sflag:s23], $0x4000  }
0xac: {  	s17 =	sshra.s32 s7, $0x2;
	s7 =	smov.u32 s21;
	[sflag:s23] =	ssyncset.done $0x0  }
0xad: {  	s21 =	sadd.s32 $0x15000, s17;
	[sflag:s23] =	ssyncadd.s32 $0xFFFFC000  }
0xae: {  	[spmem:s1] =	stream.indirect.scatter.add.f32 [tilespmem:s25], [sflag:$0x3], $0x80, s21, s24, $0xb8;
	[tilespmem:$0x1E400] =	vst v63  }
0xaf: {  	_ =	swait.ge [sflag:s20], $0x4000  }
0xb0: {  	[sflag:s20] =	ssyncset.done $0x0  }
0xb1: {  	s11 =	sadd.s32 @!p5 $0x13D00, s11;
	[sflag:s20] =	ssyncadd.s32 $0xFFFFC000  }
0xb2: {  	[tilespmem:s6], [sflag:$0x1] =	stream.indirect.gather @!p5 [hbm4b:s4+s2], $0x80, s11, s2, $0xb8;
	[tilespmem:$0x1E400] =	vst v63  }
0xb3: {  	s10 =	sadd.s32 @p0 $0x13D00, s10  }
0xb4: {  	[tilespmem:s16], [sflag:$0x1] =	stream.indirect.gather @p0 [hbm4b:s5+s14], $0x80, s10, s14, $0xb8;
	[tilespmem:$0x1E400] =	vst v63  }
0xb5: {  	_ =	swait.ge [sflag:s26], $0x4000  }
.Ltmp3:
0xb6: {  	[sflag:s26] =	ssyncset.done $0x0;
	(pc) =	sbr.rel @p6 .LBB2_4-.Ltmp3, $4  }
0xb7: {  	s10 =	sadd.s32 $0x15080, s17;
	[sflag:s26] =	ssyncadd.s32 $0xFFFFC000  }
0xb8: {  	[spmem:s1] =	stream.indirect.scatter.add.f32 [tilespmem:s28], [sflag:$0x3], $0x80, s10, s24, $0xb8;
	[tilespmem:$0x1E400] =	vst v63  }
0xb9: {  	_ =	swait.ge [sflag:s20], $0x4000  }
0xba: {  	s11 =	sshra.s32 @!p5 s7, $0x2;
	s10 =	sshra.s32 @p0 s7, $0x2;
	[sflag:s20] =	ssyncset.done $0x0  }
0xbb: {  	s0 =	sadd.s32 @!p5 $0x13C80, s11;
	[sflag:s20] =	ssyncadd.s32 $0xFFFFC000  }
0xbc: {  	[tilespmem:s12], [sflag:$0x2] =	stream.indirect.gather @!p5 [hbm4b:s4+s2], $0x80, s0, s2, $0xb8;
	[tilespmem:$0x1E400] =	vst v63  }
0xbd: {  	s9 =	simm.s32 @p0 $0x1A400;
	s0 =	sadd.s32 @p0 $0x13C80, s10  }
0xbe: {  	[tilespmem:s9], [sflag:$0x2] =	stream.indirect.gather @p0 [hbm4b:s5+s14], $0x80, s0, s14, $0xb8;
	[tilespmem:$0x1E400] =	vst v63  }
0xbf: {  	_ =	swait.ge [sflag:s23], $0x4000  }
0xc0: {  	s21 =	sshra.s32 s7, $0x2;
	[sflag:s23] =	ssyncset.done $0x0  }
0xc1: {  	s7 =	sadd.s32 $0x15000, s21;
	[sflag:s23] =	ssyncadd.s32 $0xFFFFC000  }
0xc2: {  	[spmem:s1] =	stream.indirect.scatter.add.f32 [tilespmem:s25], [sflag:$0x3], $0x80, s7, s24, $0xb8;
	[tilespmem:$0x1E400] =	vst v63  }
0xc3: {  	_ =	swait.ge [sflag:s20], $0x4000  }
0xc4: {  	[sflag:s20] =	ssyncset.done $0x0  }
0xc5: {  	s7 =	sadd.s32 @!p5 $0x13D00, s11;
	[sflag:s20] =	ssyncadd.s32 $0xFFFFC000  }
0xc6: {  	[tilespmem:s6], [sflag:$0x1] =	stream.indirect.gather @!p5 [hbm4b:s4+s2], $0x80, s7, s2, $0xb8;
	[tilespmem:$0x1E400] =	vst v63  }
0xc7: {  	s2 =	sadd.s32 @p0 $0x13D00, s10  }
0xc8: {  	[tilespmem:s16], [sflag:$0x1] =	stream.indirect.gather @p0 [hbm4b:s5+s14], $0x80, s2, s14, $0xb8;
	[tilespmem:$0x1E400] =	vst v63  }
0xc9: {  	_ =	swait.ge [sflag:s26], $0x4000  }
0xca: {  	[sflag:s26] =	ssyncset.done $0x0  }
0xcb: {  	s0 =	sadd.s32 $0x15080, s21;
	[sflag:s26] =	ssyncadd.s32 $0xFFFFC000  }
0xcc: {  	[spmem:s1] =	stream.indirect.scatter.add.f32 [tilespmem:s28], [sflag:$0x3], $0x80, s0, s24, $0xb8;
	[tilespmem:$0x1E400] =	vst v63  }
0xcd: {  	_ =	swait.ge [sflag:s20], $0x4000  }
0xce: {  	[sflag:s20] =	ssyncset.done $0x0  }
0xcf: {  	s2 =	simm.s32 @!p5 $0x14F80;
	s0 =	simm.s32 @!p5 $0x80;
	[sflag:s20] =	ssyncadd.s32 $0xFFFFC000  }
0xd0: {  	[tilespmem:s15], [sflag:$0x2] =	stream.indirect.gather @!p5 [hbm4b:s4+s0], $0x80, s2, s0, $0xb8;
	[tilespmem:$0x1E400] =	vst v63  }
0xd1: {  	s0 =	simm.s32 @p0 $0x80;
	s2 =	simm.s32 @p0 $0x14F80  }
0xd2: {  	[tilespmem:s9], [sflag:$0x2] =	stream.indirect.gather @p0 [hbm4b:s5+s0], $0x80, s2, s0, $0xb8;
	[tilespmem:$0x1E400] =	vst v63  }
0xd3: {  	_ =	swait.ge [sflag:s23], $0x4000  }
0xd4: {  	[sflag:s23] =	ssyncset.done $0x0  }
0xd5: {  	[sflag:s23] =	ssyncadd.s32 $0xFFFFC000  }
0xd6: {  	[spmem:s1] =	stream.indirect.scatter.add.f32 [tilespmem:s25], [sflag:$0x3], $0x80, s29, s24, $0xb8;
	[tilespmem:$0x1E400] =	vst v63  }
0xd7: {  	_ =	swait.ge [sflag:s20], $0x4000  }
0xd8: {  	[sflag:s20] =	ssyncset.done $0x0  }
0xd9: {  	[sflag:s20] =	ssyncadd.s32 $0xFFFFC000  }
0xda: {  	_ =	swait.ge [sflag:s26], $0x4000  }
0xdb: {  	[sflag:s26] =	ssyncset.done $0x0  }
0xdc: {  	[sflag:s26] =	ssyncadd.s32 $0xFFFFC000  }
0xdd: {  	[spmem:s1] =	stream.indirect.scatter.add.f32 [tilespmem:s28], [sflag:$0x3], $0x80, s30, s24, $0xb8;
	[tilespmem:$0x1E400] =	vst v63  }
.Ltmp4:
0xde: {  	_ =	swait.ge [sflag:s20], $0x4000;
	(pc) =	sbr.rel @!p2 .LBB2_8-.Ltmp4, $3  }
0xdf: {  	[sflag:s20] =	ssyncset.done $0x0  }
0xe0: {  	[sflag:s20] =	ssyncadd.s32 $0xFFFFC000  }
0xe1: {  	[bflag:$0x0] =	sbarrier.arrive $0xFFFF;
	_ =	sdelay $0x1  }
.Ltmp5:
0xe2: {  	s0 =	rddreg [dreg:$0xa];
	(pc) =	sbr.rel .LBB2_7-.Ltmp5, $4  }
0xe3: {  	[hbm:s0], [sflag:s8] =	dma.local [spmem:s19], $0x2780  }
0xe4: {  	_ =	swait.ge [sflag:s20], $0x2780  }
0xe5: {  	[sflag:s20] =	ssyncset.done $0x0  }
0xe6: {  	p6 =	por $0x0, $0x0;
	[sflag:s20] =	ssyncadd.s32 $0xFFFFD880  }
.LBB2_8:
0xe7: {  	s0 =	sld [smem:$0x7FD];
	_ =	sdelay $0x2  }
0xe8: {  	p3 =	seq.s32 s0, $0x1  }
.Ltmp6:
0xe9: {  	_ = 	snop;
	(pc) =	sbr.rel @p3 .LBB2_9-.Ltmp6, $2  }
0xea: {  	_ =	sdelay $0x2  }
0xeb: {  	p6 =	por p1, p1  }
.LBB2_7:
0xec: {  	s0 =	rddreg [dreg:$0x3]  }
0xed: {  	s2 =	rddreg [dreg:$0xb];
	s0 =	sshrl.u32 @p4 s0, $0x3  }
0xee: {  	[hbm:s2], [sflag:s8] =	dma.local @p4 [spmem:s0], $0x2780  }
.Ltmp7:
0xef: {  	_ = 	snop;
	(pc) =	sbr.rel .LBB2_10-.Ltmp7, $4  }
0xf0: {  	s0 =	simm.s32 @p4 $0x3  }
0xf1: {  	_ =	swait.ge @p4 [sflag:s0], $0x2780  }
0xf2: {  	[sflag:s0] =	ssyncset.done @p4 $0x0  }
0xf3: {  	[sflag:s0] =	ssyncadd.s32 @p4 $0xFFFFD880  }
.LBB2_11:
0xf4: {  	_ =	sfence.sel $0x180000  }
0xf5: {  	[bflag:$0x0] =	sbarrier.arrive $0xFFFF  }
0xf6: {  	_ =	strace $0x90000047  }
0xf7: {  	s0 =	stileid.u32;
	[bflag:$0x2] =	sbarrier.arrive $0xFFFF  }
0xf8: {  	p0 =	sne.s32 s0, $0x0;
	s0 =	rddreg [dreg:$0x2]  }
0xf9: {  	s0 =	sadd.s32 @!p0 $0x100000, s0  }
0xfa: {  	[sflag:s0] =	ssyncadd.tile.s32 @!p0 $0x1;
	_ =	shalt  }
.Lfunc_end2:
_tile_overlayer_lowered:
.L_overlay_start_2:
0xfb: {  	(tag) =	ssettag $0x2  }
0xfc: {  	s0 =	rddreg [dreg:$0x0];
	s2 =	stileid.u32  }
0xfd: {  	s1 =	rddreg [dreg:$0x1];
	p0 =	sne.s32 s2, $0x0  }
0xfe: {  	s3 =	rddreg [dreg:$0x2];
	[bflag:$0x3] =	sbarrier.arrive $0xFFFF;
	s2 =	simm.s32 @!p0 $0x1C03  }
0xff: {  	[timem:s3], [sflag:s2] =	dma.local @!p0 [hbm:s0], s1  }
0x100: {  	s0 =	simm.s32 @!p0 $0x3  }
0x101: {  	_ =	swait.ge @!p0 [sflag:s0], s1  }
0x102: {  	s1 =	ssub.s32 @!p0 $0x0, s1;
	[sflag:s0] =	ssyncset.done @!p0 $0x0  }
0x103: {  	[sflag:s0] =	ssyncadd.s32 @!p0 s1  }
0x104: {  	[bflag:$0x3] =	sbarrier.arrive $0xFFFF  }
0x105: {  	_ =	shalt  }

</sc_bundles>
